<compile_context>
chip_gen: v7x
topology: tpu7x:2x2x1
jax: 0.10.2.dev20260603
libtpu: 0.0.44.dev20260713+nightly
codegen_flags: <defaults>
</compile_context>

<pallas_src>
import functools

import numpy as np
import jax
import jax.numpy as jnp
from jax import lax
from jax.experimental import pallas as pl
from jax.experimental.pallas import tpu as pltpu
from jax.experimental.pallas import tpu_sc as plsc

L = 16
FPL = 2
T = 2 ** 19
BASE = 16
PLS = 1.3819
PRIMES = (1, 2654435761, 805459861, 3674653429)
NB, NPTS = 8, 16384
P = NB * NPTS
C = 16
K = L * C
K2 = 2 * K
MASK = T - 1

_SCALES = np.array([np.exp2(l * np.log2(PLS)) * BASE - 1.0 for l in range(L)])
_RES = (np.ceil(_SCALES) + 1.0).astype(np.int64)
_DENSE = np.array([int(r) ** 4 <= T for r in _RES])

_lvlK = np.arange(K) >> 4
SCALE_K = _SCALES[_lvlK].astype(np.float32).reshape(1, K)
RESM1_K = (_RES[_lvlK] - 1).astype(np.int32).reshape(1, K)
DENSE_K = _DENSE[_lvlK].astype(np.int32).reshape(1, K)
BASEOFF_K = (_lvlK * T).astype(np.int32).reshape(1, K)
_respow = np.zeros((4, L), np.int64)
for _d in range(4):
    _respow[_d] = _RES ** _d
    _respow[_d][~_DENSE] = 0
RESPOW_K = _respow[:, _lvlK].astype(np.int32)

_lvl512 = np.arange(K2) >> 5
SCALE_512 = _SCALES[_lvl512].astype(np.float32).reshape(1, K2)

ROWMAP = (2 * (np.arange(K2) >> 5) + (np.arange(K2) & 1)).astype(np.int32)

PBA = 1024
PBB = 1024


def _idx_body(x_ref, scale_ref, resm1_ref, respow_ref, dense_ref, base_ref,
              idx_ref):
    x01 = (x_ref[...] + 1.0) * 0.5
    cc = lax.broadcasted_iota(jnp.int32, (PBA, K), 1)
    scale = scale_ref[...]
    resm1 = resm1_ref[...]
    acc_h = None
    acc_d = None
    for d in range(4):
        xd = x01[:, d:d + 1]
        pos = xd * scale + 0.5
        pgi = jnp.floor(pos).astype(jnp.int32)
        bit = (cc >> (3 - d)) & 1
        cd = pgi + bit
        vh = cd.astype(jnp.uint32) * jnp.uint32(PRIMES[d])
        acc_h = vh if d == 0 else acc_h ^ vh
        vd = jnp.clip(cd, 0, resm1) * respow_ref[d:d + 1, :]
        acc_d = vd if d == 0 else acc_d + vd
    ih = (acc_h & jnp.uint32(MASK)).astype(jnp.int32)
    idx_ref[...] = jnp.where(dense_ref[...] == 1, acc_d, ih) + base_ref[...]


def _run_idx(x):
    return pl.pallas_call(
        _idx_body,
        grid=(P // PBA,),
        in_specs=[
            pl.BlockSpec((PBA, 4), lambda i: (i, 0)),
            pl.BlockSpec((1, K), lambda i: (0, 0)),
            pl.BlockSpec((1, K), lambda i: (0, 0)),
            pl.BlockSpec((4, K), lambda i: (0, 0)),
            pl.BlockSpec((1, K), lambda i: (0, 0)),
            pl.BlockSpec((1, K), lambda i: (0, 0)),
        ],
        out_specs=pl.BlockSpec((PBA, K), lambda i: (i, 0)),
        out_shape=jax.ShapeDtypeStruct((P, K), jnp.int32),
    )(x, jnp.asarray(SCALE_K), jnp.asarray(RESM1_K), jnp.asarray(RESPOW_K),
      jnp.asarray(DENSE_K), jnp.asarray(BASEOFF_K))


_NC, _NS = 2, 16
NW = _NC * _NS
NIDX = P * K
NI_W = NIDX // NW
CH = 4096
NIT = NI_W // CH


@functools.cache
def _make_sc_gather():
    mesh = plsc.VectorSubcoreMesh(core_axis_name="c", subcore_axis_name="s")

    @functools.partial(
        pl.kernel, mesh=mesh,
        out_type=jax.ShapeDtypeStruct((NIDX * FPL,), jnp.float32),
        scratch_types=[
            pltpu.VMEM((CH,), jnp.int32),
            pltpu.VMEM((CH,), jnp.int32),
            pltpu.VMEM((CH, 8), jnp.float32),
            pltpu.VMEM((CH * FPL,), jnp.float32),
            pltpu.SemaphoreType.DMA,
        ],
        compiler_params=pltpu.CompilerParams(use_tc_tiling_on_sc=False,
                                            needs_layout_passes=False),
    )
    def _gather(tab_hbm, idx_hbm, out_hbm, idx_v, gidx_v, buf_v, cmp_v, sem):
        wid = lax.axis_index("s") * _NC + lax.axis_index("c")
        base = wid * NI_W
        iota = lax.iota(jnp.int32, 16)

        def body(it, carry):
            off = base + it * CH
            pltpu.sync_copy(idx_hbm.at[pl.ds(off, CH)], idx_v)

            def to_packed(g, c2):
                v = idx_v[pl.ds(g * 16, 16)]
                gidx_v[pl.ds(g * 16, 16)] = v >> 2
                return c2

            lax.fori_loop(0, CH // 16, to_packed, 0)
            pltpu.async_copy(tab_hbm.at[gidx_v], buf_v, sem).wait()

            def compact(g, c2):
                rows = iota + g * 16
                v = idx_v[pl.ds(g * 16, 16)]
                col0 = (v & 3) * 2
                f0 = plsc.load_gather(buf_v, [rows, col0])
                f1 = plsc.load_gather(buf_v, [rows, col0 + 1])
                pos = rows * 2
                plsc.store_scatter(cmp_v, [pos], f0)
                plsc.store_scatter(cmp_v, [pos + 1], f1)
                return c2

            lax.fori_loop(0, CH // 16, compact, 0)
            pltpu.sync_copy(cmp_v, out_hbm.at[pl.ds(off * FPL, CH * FPL)])
            return carry

        lax.fori_loop(0, NIT, body, 0)

    return _gather


def _mlp_body(x_ref, g_ref, scale_ref, w1_ref, b1_ref, w2_ref, b2_ref,
              w3_ref, b3_ref, out_ref):
    x01 = (x_ref[...] + 1.0) * 0.5
    cc = lax.broadcasted_iota(jnp.int32, (PBB, K2), 1)
    scale = scale_ref[...]
    wts = None
    for d in range(4):
        xd = x01[:, d:d + 1]
        pos = xd * scale + 0.5
        frac = pos - jnp.floor(pos)
        bit = (cc >> (4 - d)) & 1
        wd = jnp.where(bit == 1, frac, 1.0 - frac)
        wts = wd if d == 0 else wts * wd
    hw = g_ref[...] * wts
    h = jnp.dot(hw, w1_ref[...], preferred_element_type=jnp.float32)
    h = jnp.maximum(h + b1_ref[...], 0.0)
    h = jnp.dot(h, w2_ref[...], preferred_element_type=jnp.float32)
    h = jnp.maximum(h + b2_ref[...], 0.0)
    out_ref[...] = (jnp.sum(h * w3_ref[...], axis=1, keepdims=True)
                    + b3_ref[...])


def _run_mlp(x, g, w1x, b1, w2, b2, w3, b3):
    return pl.pallas_call(
        _mlp_body,
        grid=(P // PBB,),
        in_specs=[
            pl.BlockSpec((PBB, 4), lambda i: (i, 0)),
            pl.BlockSpec((PBB, K2), lambda i: (i, 0)),
            pl.BlockSpec((1, K2), lambda i: (0, 0)),
            pl.BlockSpec((K2, 64), lambda i: (0, 0)),
            pl.BlockSpec((1, 64), lambda i: (0, 0)),
            pl.BlockSpec((64, 64), lambda i: (0, 0)),
            pl.BlockSpec((1, 64), lambda i: (0, 0)),
            pl.BlockSpec((1, 64), lambda i: (0, 0)),
            pl.BlockSpec((1, 1), lambda i: (0, 0)),
        ],
        out_specs=pl.BlockSpec((PBB, 1), lambda i: (i, 0)),
        out_shape=jax.ShapeDtypeStruct((P, 1), jnp.float32),
    )(x, g, jnp.asarray(SCALE_512), w1x, b1, w2, b2, w3, b3)


def kernel(inputs, latent, tables, W1, b1, W2, b2, W3, b3):
    x = jnp.concatenate([
        inputs.reshape(P, 3),
        jnp.broadcast_to(latent[:, None, :], (NB, NPTS, 1)).reshape(P, 1),
    ], axis=1)
    tabw = lax.optimization_barrier(tables.reshape(L * T * FPL // 128, 128))
    tab = tabw.reshape(L * T * FPL // 8, 8)
    idx = _run_idx(x)
    g = _make_sc_gather()(tab, idx.reshape(NIDX))
    w1x = W1[jnp.asarray(ROWMAP)]
    out = _run_mlp(x, g.reshape(P, K2), w1x,
                   b1.reshape(1, 64), W2, b2.reshape(1, 64),
                   W3.reshape(1, 64), b3.reshape(1, 1))
    return out.reshape(NB, NPTS, 1)

# --- scband reference (transcript-rebuilt; emitter-appended) ---
"""Pipeline reference for scband-ngp-62732292325674 (READ-ONLY COPY).

The authoritative reference and input builder live on the scoring server;
editing this copy changes nothing except your own understanding.
"""

import jax, jax.numpy as jnp
import numpy as np

L = 16          # n_levels
FPL = 2         # n_features_per_level
T = 2 ** 19     # hashmap size
BASE = 16       # base_resolution
PLS = 1.3819    # per_level_scale
PRIMES = [1, 2654435761, 805459861, 3674653429]
B, N = 8, 16384

# 16 corner offsets of a 4D voxel
OFFS = jnp.asarray(np.stack(np.meshgrid(*([np.arange(2)] * 4), indexing='ij'), axis=-1).reshape(-1, 4).astype(np.int32))


def setup_inputs(seed: int = 0) -> dict:
    key = jax.random.key(seed)
    ks = jax.random.split(key, 9)
    inputs = jax.random.uniform(ks[0], (B, N, 3), dtype=jnp.float32)
    latent = jax.random.uniform(ks[1], (B, 1), dtype=jnp.float32)
    tables = jax.random.uniform(ks[2], (L, T, FPL), dtype=jnp.float32, minval=-1e-4, maxval=1e-4)
    W1 = jax.random.normal(ks[3], (32, 64), dtype=jnp.float32) * (1.0 / np.sqrt(32))
    b1 = jnp.zeros((64,), dtype=jnp.float32)
    W2 = jax.random.normal(ks[4], (64, 64), dtype=jnp.float32) * (1.0 / np.sqrt(64))
    b2 = jnp.zeros((64,), dtype=jnp.float32)
    W3 = jax.random.normal(ks[5], (64, 1), dtype=jnp.float32) * (1.0 / np.sqrt(64))
    b3 = jnp.zeros((1,), dtype=jnp.float32)
    return {'inputs': inputs, 'latent': latent, 'tables': tables,
            'W1': W1, 'b1': b1, 'W2': W2, 'b2': b2, 'W3': W3, 'b3': b3}


def _hash_encode(x, tables):
    # x: (P, 4) in [0, 1]; tcnn-style multiresolution hash grid
    feats = []
    for l in range(L):
        scale = float(np.exp2(l * np.log2(PLS)) * BASE - 1.0)
        res = int(np.ceil(scale)) + 1
        pos = x * scale + 0.5
        pg = jnp.floor(pos)
        frac = pos - pg
        pg = pg.astype(jnp.int32)
        corner = pg[:, None, :] + OFFS[None, :, :]            # (P, 16, 4)
        w = jnp.prod(jnp.where(OFFS[None, :, :] == 1, frac[:, None, :], 1.0 - frac[:, None, :]), axis=-1)  # (P, 16)
        if res ** 4 <= T:
            c = jnp.clip(corner, 0, res - 1)
            idx = c[..., 0] + c[..., 1] * res + c[..., 2] * res * res + c[..., 3] * res * res * res
        else:
            cu = corner.astype(jnp.uint32)
            idx = (cu[..., 0] * jnp.uint32(PRIMES[0])) ^ (cu[..., 1] * jnp.uint32(PRIMES[1])) ^ \
                  (cu[..., 2] * jnp.uint32(PRIMES[2])) ^ (cu[..., 3] * jnp.uint32(PRIMES[3]))
            idx = (idx % jnp.uint32(T)).astype(jnp.int32)
        f = jnp.take(tables[l], idx, axis=0)                  # (P, 16, FPL)
        feats.append(jnp.sum(f * w[..., None], axis=1))       # (P, FPL)
    return jnp.concatenate(feats, axis=-1)                    # (P, 32)


def reference(inputs, latent, tables, W1, b1, W2, b2, W3, b3):
    Bq, Nq = inputs.shape[0], inputs.shape[1]
    inputs_con = jnp.repeat(latent[:, None, :], Nq, axis=1)   # (B, N, latent_size)
    x = jnp.concatenate([inputs, inputs_con], axis=-1)        # (B, N, 4)
    x = (x + 1.0) / 2.0
    x = x.reshape(-1, 4)
    h = _hash_encode(x, tables).astype(jnp.float32)           # (P, 32)
    h = jnp.maximum(h @ W1 + b1, 0.0)
    h = jnp.maximum(h @ W2 + b2, 0.0)
    out = h @ W3 + b3
    return out.reshape(Bq, Nq, 1)

if __name__ == "__main__":
    import jax
    _d = setup_inputs()
    print(jax.jit(kernel)(*tuple(_d.values())))

</pallas_src>

<mosaic_0001>
#map = affine_map<(d0, d1) -> (0, 0)>
#map1 = affine_map<(d0, d1) -> (0)>
module attributes {stable_mosaic.version = 14 : i64} {
  func.func @_gather(%arg0: i32, %arg1: i32, %arg2: memref<2097152x8xf32, #tpu.memory_space<hbm>>, %arg3: memref<33554432xi32, #tpu.memory_space<hbm>>, %arg4: memref<67108864xf32, #tpu.memory_space<hbm>>, %arg5: memref<4096xi32, #tpu.memory_space<vmem>>, %arg6: memref<4096xi32, #tpu.memory_space<vmem>>, %arg7: memref<4096x8xf32, #tpu.memory_space<vmem>>, %arg8: memref<8192xf32, #tpu.memory_space<vmem>>, %arg9: memref<!tpu.dma_semaphore, #tpu.memory_space<semaphore_mem>>) attributes {dimension_semantics = [#tpu.dimension_semantics<core_parallel>, #tpu.dimension_semantics<subcore_parallel>], iteration_bounds = array<i64: 2, 16>, scalar_prefetch = 0 : i64, scratch_operands = 5 : i64, tpu.core_type = #tpu.core_type<sc_vector_subcore>, window_params = [{transform_indices = #map}, {transform_indices = #map1}, {transform_indices = #map1}]} {
    %mul3A = arith.constant 2 : i32
    %mul3A_0 = arith.muli %arg1, %mul3A : i32
    %add3A = arith.addi %mul3A_0, %arg0 : i32
    %mul3A_1 = arith.constant 1048576 : i32
    %mul3A_2 = arith.muli %add3A, %mul3A_1 : i32
    %iota3A = tpu.iota {dimensions = array<i32: 0>} : vector<16xi32>
    %scan3A = arith.constant 0 : i32
    %scan3A_3 = arith.constant 0 : i32
    %scan3A_4 = arith.constant 256 : i32
    %scan3A_5 = arith.addi %scan3A_3, %scan3A_4 : i32
    %scan3A_6 = arith.constant 1 : i32
    scf.for %scan3A_8 = %scan3A_3 to %scan3A_5 step %scan3A_6  : i32 {
      %mul3A_9 = arith.constant 4096 : i32
      %mul3A_10 = arith.muli %scan3A_8, %mul3A_9 : i32
      %add3A_11 = arith.addi %mul3A_2, %mul3A_10 : i32
      "tpu.region"() ({
        %run_scoped3A = tpu.sem_alloc : memref<!tpu.dma_semaphore, #tpu.memory_space<semaphore_mem>>
        %dma_start3A_30 = tpu.memref_slice %arg3[%add3A_11] : memref<33554432xi32, #tpu.memory_space<hbm>> -> memref<4096xi32, #tpu.memory_space<hbm>>
        %dma_start3A_31 = tpu.memref_slice %arg3[%add3A_11] : memref<33554432xi32, #tpu.memory_space<hbm>> -> memref<4096xi32, #tpu.memory_space<hbm>>
        tpu.enqueue_dma source(%dma_start3A_31 : memref<4096xi32, #tpu.memory_space<hbm>>) target(%arg5 : memref<4096xi32, #tpu.memory_space<vmem>>) target_semaphore(%run_scoped3A : memref<!tpu.dma_semaphore, #tpu.memory_space<semaphore_mem>>)
        %dma_wait3A_32 = tpu.memref_slice %arg3[%add3A_11] : memref<33554432xi32, #tpu.memory_space<hbm>> -> memref<4096xi32, #tpu.memory_space<hbm>>
        %dma_wait3A_33 = tpu.memref_slice %arg3[%add3A_11] : memref<33554432xi32, #tpu.memory_space<hbm>> -> memref<4096xi32, #tpu.memory_space<hbm>>
        tpu.wait_dma2 semaphore(%run_scoped3A : memref<!tpu.dma_semaphore, #tpu.memory_space<semaphore_mem>>) src(%dma_wait3A_33 : memref<4096xi32, #tpu.memory_space<hbm>>) dst(%arg5 : memref<4096xi32, #tpu.memory_space<vmem>>)
        tpu.yield
      }) : () -> ()
      %scan3A_12 = arith.constant 0 : i32
      %scan3A_13 = arith.constant 0 : i32
      %scan3A_14 = arith.constant 256 : i32
      %scan3A_15 = arith.addi %scan3A_13, %scan3A_14 : i32
      %scan3A_16 = arith.constant 1 : i32
      scf.for %scan3A_30 = %scan3A_13 to %scan3A_15 step %scan3A_16  : i32 {
        %mul3A_31 = arith.constant 16 : i32
        %mul3A_32 = arith.muli %scan3A_30, %mul3A_31 : i32
        %get3A = arith.index_cast %mul3A_32 : i32 to index
        %get3A_33 = tpu.vector_load %arg5[%get3A] {strides = array<i32>} : memref<4096xi32, #tpu.memory_space<vmem>>, vector<16xi32>,
        %shift_right_arithmetic3A = arith.constant 2 : i32
        %shift_right_arithmetic3A_34 = vector.broadcast %shift_right_arithmetic3A : i32 to vector<16xi32>
        %shift_right_arithmetic3A_35 = arith.shrsi %get3A_33, %shift_right_arithmetic3A_34 : vector<16xi32>
        %mul3A_36 = arith.constant 16 : i32
        %mul3A_37 = arith.muli %scan3A_30, %mul3A_36 : i32
        %swap3A = arith.index_cast %mul3A_37 : i32 to index
        %swap3A_38 = tpu.vector_load %arg6[%swap3A] {strides = array<i32>} : memref<4096xi32, #tpu.memory_space<vmem>>, vector<16xi32>,
        tpu.vector_store %arg6[%swap3A], %shift_right_arithmetic3A_35 {strides = array<i32>} : memref<4096xi32, #tpu.memory_space<vmem>>, vector<16xi32>,
      }
      %scan3A_17 = arith.constant 256 : i32
      %dma_start3A = arith.constant 0 : i32
      %dma_start3A_18 = arith.constant 0 : i32
      %dma_start3A_19 = tpu.memref_slice %arg2[%dma_start3A, %dma_start3A_18] : memref<2097152x8xf32, #tpu.memory_space<hbm>> -> memref<2097152x8xf32, #tpu.memory_space<hbm>>
      tpu.enqueue_indirect_dma source(%dma_start3A_19 : memref<2097152x8xf32, #tpu.memory_space<hbm>>) target(%arg7 : memref<4096x8xf32, #tpu.memory_space<vmem>>) offsets(%arg6 : memref<4096xi32, #tpu.memory_space<vmem>>) semaphore(%arg9 : memref<!tpu.dma_semaphore, #tpu.memory_space<semaphore_mem>>)
      %dma_wait3A = arith.constant 0 : i32
      %dma_wait3A_20 = arith.constant 0 : i32
      %dma_wait3A_21 = tpu.memref_slice %arg2[%dma_wait3A, %dma_wait3A_20] : memref<2097152x8xf32, #tpu.memory_space<hbm>> -> memref<2097152x8xf32, #tpu.memory_space<hbm>>
      tpu.wait_indirect_dma semaphore(%arg9 : memref<!tpu.dma_semaphore, #tpu.memory_space<semaphore_mem>>) src(%dma_wait3A_21 : memref<2097152x8xf32, #tpu.memory_space<hbm>>) dst(%arg7 : memref<4096x8xf32, #tpu.memory_space<vmem>>)
      %scan3A_22 = arith.constant 0 : i32
      %scan3A_23 = arith.constant 0 : i32
      %scan3A_24 = arith.constant 256 : i32
      %scan3A_25 = arith.addi %scan3A_23, %scan3A_24 : i32
      %scan3A_26 = arith.constant 1 : i32
      scf.for %scan3A_30 = %scan3A_23 to %scan3A_25 step %scan3A_26  : i32 {
        %mul3A_31 = arith.constant 16 : i32
        %mul3A_32 = arith.muli %scan3A_30, %mul3A_31 : i32
        %add3A_33 = vector.broadcast %mul3A_32 : i32 to vector<16xi32>
        %add3A_34 = arith.addi %iota3A, %add3A_33 : vector<16xi32>
        %mul3A_35 = arith.constant 16 : i32
        %mul3A_36 = arith.muli %scan3A_30, %mul3A_35 : i32
        %get3A = arith.index_cast %mul3A_36 : i32 to index
        %get3A_37 = tpu.vector_load %arg5[%get3A] {strides = array<i32>} : memref<4096xi32, #tpu.memory_space<vmem>>, vector<16xi32>,
        %and3A = arith.constant 3 : i32
        %and3A_38 = vector.broadcast %and3A : i32 to vector<16xi32>
        %and3A_39 = arith.andi %get3A_37, %and3A_38 : vector<16xi32>
        %mul3A_40 = arith.constant 2 : i32
        %mul3A_41 = vector.broadcast %mul3A_40 : i32 to vector<16xi32>
        %mul3A_42 = arith.muli %and3A_39, %mul3A_41 : vector<16xi32>
        %gather3A = tpu.vector_load_idx %arg7[%add3A_34, %mul3A_42] : memref<4096x8xf32, #tpu.memory_space<vmem>>[vector<16xi32>, vector<16xi32>], vector<16xf32>,
        %add3A_43 = arith.constant 1 : i32
        %add3A_44 = vector.broadcast %add3A_43 : i32 to vector<16xi32>
        %add3A_45 = arith.addi %mul3A_42, %add3A_44 : vector<16xi32>
        %gather3A_46 = tpu.vector_load_idx %arg7[%add3A_34, %add3A_45] : memref<4096x8xf32, #tpu.memory_space<vmem>>[vector<16xi32>, vector<16xi32>], vector<16xf32>,
        %mul3A_47 = arith.constant 2 : i32
        %mul3A_48 = vector.broadcast %mul3A_47 : i32 to vector<16xi32>
        %mul3A_49 = arith.muli %add3A_34, %mul3A_48 : vector<16xi32>
        tpu.vector_store_idx %arg8[%mul3A_49], %gather3A : memref<8192xf32, #tpu.memory_space<vmem>>[vector<16xi32>], vector<16xf32>,
        %add3A_50 = arith.constant 1 : i32
        %add3A_51 = vector.broadcast %add3A_50 : i32 to vector<16xi32>
        %add3A_52 = arith.addi %mul3A_49, %add3A_51 : vector<16xi32>
        tpu.vector_store_idx %arg8[%add3A_52], %gather3A_46 : memref<8192xf32, #tpu.memory_space<vmem>>[vector<16xi32>], vector<16xf32>,
      }
      %scan3A_27 = arith.constant 256 : i32
      %mul3A_28 = arith.constant 2 : i32
      %mul3A_29 = arith.muli %add3A_11, %mul3A_28 : i32
      "tpu.region"() ({
        %run_scoped3A = tpu.sem_alloc : memref<!tpu.dma_semaphore, #tpu.memory_space<semaphore_mem>>
        %dma_start3A_30 = tpu.memref_slice %arg4[%mul3A_29] : memref<67108864xf32, #tpu.memory_space<hbm>> -> memref<8192xf32, #tpu.memory_space<hbm>>
        %dma_start3A_31 = tpu.memref_slice %arg4[%mul3A_29] : memref<67108864xf32, #tpu.memory_space<hbm>> -> memref<8192xf32, #tpu.memory_space<hbm>>
        tpu.enqueue_dma source(%arg8 : memref<8192xf32, #tpu.memory_space<vmem>>) target(%dma_start3A_31 : memref<8192xf32, #tpu.memory_space<hbm>>) target_semaphore(%run_scoped3A : memref<!tpu.dma_semaphore, #tpu.memory_space<semaphore_mem>>)
        %dma_wait3A_32 = tpu.memref_slice %arg4[%mul3A_29] : memref<67108864xf32, #tpu.memory_space<hbm>> -> memref<8192xf32, #tpu.memory_space<hbm>>
        %dma_wait3A_33 = tpu.memref_slice %arg4[%mul3A_29] : memref<67108864xf32, #tpu.memory_space<hbm>> -> memref<8192xf32, #tpu.memory_space<hbm>>
        tpu.wait_dma2 semaphore(%run_scoped3A : memref<!tpu.dma_semaphore, #tpu.memory_space<semaphore_mem>>) src(%arg8 : memref<8192xf32, #tpu.memory_space<vmem>>) dst(%dma_wait3A_33 : memref<8192xf32, #tpu.memory_space<hbm>>)
        tpu.yield
      }) : () -> ()
    }
    %scan3A_7 = arith.constant 256 : i32
    return
  }
}

module attributes {stable_mosaic.version = 14 : i64} {
  func.func @_idx_body(%arg0: i32, %arg1: memref<1024x4xf32, #tpu.memory_space<vmem>>, %arg2: memref<1x256xf32, #tpu.memory_space<vmem>>, %arg3: memref<1x256xi32, #tpu.memory_space<vmem>>, %arg4: memref<4x256xi32, #tpu.memory_space<vmem>>, %arg5: memref<1x256xi32, #tpu.memory_space<vmem>>, %arg6: memref<1x256xi32, #tpu.memory_space<vmem>>, %arg7: memref<1024x256xi32, #tpu.memory_space<vmem>>) attributes {dimension_semantics = [#tpu.dimension_semantics<arbitrary>], iteration_bounds = array<i64: 128>, scalar_prefetch = 0 : i64, scratch_operands = 0 : i64, tpu.core_type = #tpu.core_type<tc>, window_params = [{transform_indices = @transform_0, window_bounds = array<i64: 1024, 4>}, {pipeline_mode = #tpu.pipeline_mode<synchronous>, transform_indices = @transform_1, window_bounds = array<i64: 1, 256>}, {pipeline_mode = #tpu.pipeline_mode<synchronous>, transform_indices = @transform_2, window_bounds = array<i64: 1, 256>}, {pipeline_mode = #tpu.pipeline_mode<synchronous>, transform_indices = @transform_3, window_bounds = array<i64: 4, 256>}, {pipeline_mode = #tpu.pipeline_mode<synchronous>, transform_indices = @transform_4, window_bounds = array<i64: 1, 256>}, {pipeline_mode = #tpu.pipeline_mode<synchronous>, transform_indices = @transform_5, window_bounds = array<i64: 1, 256>}, {transform_indices = @transform_6, window_bounds = array<i64: 1024, 256>}]} {
    %get3A = arith.constant 0 : index
    %get3A_0 = arith.constant 0 : index
    %get3A_1 = vector.load %arg1[%get3A, %get3A_0] : memref<1024x4xf32, #tpu.memory_space<vmem>>, vector<1024x4xf32>
    %add3A = arith.constant 1.000000e+00 : f32
    %add3A_2 = vector.broadcast %add3A : f32 to vector<1024x4xf32>
    %add3A_3 = arith.addf %get3A_1, %add3A_2 : vector<1024x4xf32>
    %mul3A = arith.constant 5.000000e-01 : f32
    %mul3A_4 = vector.broadcast %mul3A : f32 to vector<1024x4xf32>
    %mul3A_5 = arith.mulf %add3A_3, %mul3A_4 : vector<1024x4xf32>
    %iota3A = tpu.iota {dimensions = array<i32: 1>} : vector<1024x256xi32>
    %get3A_6 = arith.constant 0 : index
    %get3A_7 = arith.constant 0 : index
    %get3A_8 = vector.load %arg2[%get3A_6, %get3A_7] : memref<1x256xf32, #tpu.memory_space<vmem>>, vector<1x256xf32>
    %get3A_9 = arith.constant 0 : index
    %get3A_10 = arith.constant 0 : index
    %get3A_11 = vector.load %arg3[%get3A_9, %get3A_10] : memref<1x256xi32, #tpu.memory_space<vmem>>, vector<1x256xi32>
    %slice3A = vector.extract_strided_slice %mul3A_5 {offsets = [0, 0], sizes = [1024, 1], strides = [1, 1]} : vector<1024x4xf32> to vector<1024x1xf32>
    %mul3A_12 = vector.broadcast %slice3A : vector<1024x1xf32> to vector<1024x256xf32>
    %mul3A_13 = vector.broadcast %get3A_8 : vector<1x256xf32> to vector<1024x256xf32>
    %mul3A_14 = arith.mulf %mul3A_12, %mul3A_13 : vector<1024x256xf32>
    %add3A_15 = arith.constant 5.000000e-01 : f32
    %add3A_16 = vector.broadcast %add3A_15 : f32 to vector<1024x256xf32>
    %add3A_17 = arith.addf %mul3A_14, %add3A_16 : vector<1024x256xf32>
    %floor3A = math.floor %add3A_17 : vector<1024x256xf32>
    %convert_element_type3A = arith.fptosi %floor3A : vector<1024x256xf32> to vector<1024x256xi32>
    %shift_right_arithmetic3A = arith.constant 3 : i32
    %shift_right_arithmetic3A_18 = vector.broadcast %shift_right_arithmetic3A : i32 to vector<1024x256xi32>
    %shift_right_arithmetic3A_19 = arith.shrsi %iota3A, %shift_right_arithmetic3A_18 : vector<1024x256xi32>
    %and3A = arith.constant 1 : i32
    %and3A_20 = vector.broadcast %and3A : i32 to vector<1024x256xi32>
    %and3A_21 = arith.andi %shift_right_arithmetic3A_19, %and3A_20 : vector<1024x256xi32>
    %add3A_22 = arith.addi %convert_element_type3A, %and3A_21 : vector<1024x256xi32>
    %mul3A_23 = arith.constant 1 : i32
    %mul3A_24 = vector.broadcast %mul3A_23 : i32 to vector<1024x256xi32>
    %mul3A_25 = arith.muli %add3A_22, %mul3A_24 : vector<1024x256xi32>
    %jit3A = arith.constant 0 : i32
    %max3A = vector.broadcast %jit3A : i32 to vector<1024x256xi32>
    %max3A_26 = arith.maxsi %max3A, %add3A_22 : vector<1024x256xi32>
    %min3A = vector.broadcast %get3A_11 : vector<1x256xi32> to vector<1024x256xi32>
    %min3A_27 = arith.minsi %min3A, %max3A_26 : vector<1024x256xi32>
    %get3A_28 = arith.constant 0 : index
    %get3A_29 = arith.constant 0 : index
    %get3A_30 = vector.load %arg4[%get3A_28, %get3A_29] : memref<4x256xi32, #tpu.memory_space<vmem>>, vector<1x256xi32>
    %mul3A_31 = vector.broadcast %get3A_30 : vector<1x256xi32> to vector<1024x256xi32>
    %mul3A_32 = arith.muli %min3A_27, %mul3A_31 : vector<1024x256xi32>
    %slice3A_33 = vector.extract_strided_slice %mul3A_5 {offsets = [0, 1], sizes = [1024, 1], strides = [1, 1]} : vector<1024x4xf32> to vector<1024x1xf32>
    %mul3A_34 = vector.broadcast %slice3A_33 : vector<1024x1xf32> to vector<1024x256xf32>
    %mul3A_35 = vector.broadcast %get3A_8 : vector<1x256xf32> to vector<1024x256xf32>
    %mul3A_36 = arith.mulf %mul3A_34, %mul3A_35 : vector<1024x256xf32>
    %add3A_37 = arith.constant 5.000000e-01 : f32
    %add3A_38 = vector.broadcast %add3A_37 : f32 to vector<1024x256xf32>
    %add3A_39 = arith.addf %mul3A_36, %add3A_38 : vector<1024x256xf32>
    %floor3A_40 = math.floor %add3A_39 : vector<1024x256xf32>
    %convert_element_type3A_41 = arith.fptosi %floor3A_40 : vector<1024x256xf32> to vector<1024x256xi32>
    %shift_right_arithmetic3A_42 = arith.constant 2 : i32
    %shift_right_arithmetic3A_43 = vector.broadcast %shift_right_arithmetic3A_42 : i32 to vector<1024x256xi32>
    %shift_right_arithmetic3A_44 = arith.shrsi %iota3A, %shift_right_arithmetic3A_43 : vector<1024x256xi32>
    %and3A_45 = arith.constant 1 : i32
    %and3A_46 = vector.broadcast %and3A_45 : i32 to vector<1024x256xi32>
    %and3A_47 = arith.andi %shift_right_arithmetic3A_44, %and3A_46 : vector<1024x256xi32>
    %add3A_48 = arith.addi %convert_element_type3A_41, %and3A_47 : vector<1024x256xi32>
    %mul3A_49 = arith.constant -1640531535 : i32
    %mul3A_50 = vector.broadcast %mul3A_49 : i32 to vector<1024x256xi32>
    %mul3A_51 = arith.muli %add3A_48, %mul3A_50 : vector<1024x256xi32>
    %xor3A = arith.xori %mul3A_25, %mul3A_51 : vector<1024x256xi32>
    %jit3A_52 = arith.constant 0 : i32
    %max3A_53 = vector.broadcast %jit3A_52 : i32 to vector<1024x256xi32>
    %max3A_54 = arith.maxsi %max3A_53, %add3A_48 : vector<1024x256xi32>
    %min3A_55 = vector.broadcast %get3A_11 : vector<1x256xi32> to vector<1024x256xi32>
    %min3A_56 = arith.minsi %min3A_55, %max3A_54 : vector<1024x256xi32>
    %get3A_57 = arith.constant 1 : index
    %get3A_58 = arith.constant 0 : index
    %get3A_59 = vector.load %arg4[%get3A_57, %get3A_58] : memref<4x256xi32, #tpu.memory_space<vmem>>, vector<1x256xi32>
    %mul3A_60 = vector.broadcast %get3A_59 : vector<1x256xi32> to vector<1024x256xi32>
    %mul3A_61 = arith.muli %min3A_56, %mul3A_60 : vector<1024x256xi32>
    %add3A_62 = arith.addi %mul3A_32, %mul3A_61 : vector<1024x256xi32>
    %slice3A_63 = vector.extract_strided_slice %mul3A_5 {offsets = [0, 2], sizes = [1024, 1], strides = [1, 1]} : vector<1024x4xf32> to vector<1024x1xf32>
    %mul3A_64 = vector.broadcast %slice3A_63 : vector<1024x1xf32> to vector<1024x256xf32>
    %mul3A_65 = vector.broadcast %get3A_8 : vector<1x256xf32> to vector<1024x256xf32>
    %mul3A_66 = arith.mulf %mul3A_64, %mul3A_65 : vector<1024x256xf32>
    %add3A_67 = arith.constant 5.000000e-01 : f32
    %add3A_68 = vector.broadcast %add3A_67 : f32 to vector<1024x256xf32>
    %add3A_69 = arith.addf %mul3A_66, %add3A_68 : vector<1024x256xf32>
    %floor3A_70 = math.floor %add3A_69 : vector<1024x256xf32>
    %convert_element_type3A_71 = arith.fptosi %floor3A_70 : vector<1024x256xf32> to vector<1024x256xi32>
    %shift_right_arithmetic3A_72 = arith.constant 1 : i32
    %shift_right_arithmetic3A_73 = vector.broadcast %shift_right_arithmetic3A_72 : i32 to vector<1024x256xi32>
    %shift_right_arithmetic3A_74 = arith.shrsi %iota3A, %shift_right_arithmetic3A_73 : vector<1024x256xi32>
    %and3A_75 = arith.constant 1 : i32
    %and3A_76 = vector.broadcast %and3A_75 : i32 to vector<1024x256xi32>
    %and3A_77 = arith.andi %shift_right_arithmetic3A_74, %and3A_76 : vector<1024x256xi32>
    %add3A_78 = arith.addi %convert_element_type3A_71, %and3A_77 : vector<1024x256xi32>
    %mul3A_79 = arith.constant 805459861 : i32
    %mul3A_80 = vector.broadcast %mul3A_79 : i32 to vector<1024x256xi32>
    %mul3A_81 = arith.muli %add3A_78, %mul3A_80 : vector<1024x256xi32>
    %xor3A_82 = arith.xori %xor3A, %mul3A_81 : vector<1024x256xi32>
    %jit3A_83 = arith.constant 0 : i32
    %max3A_84 = vector.broadcast %jit3A_83 : i32 to vector<1024x256xi32>
    %max3A_85 = arith.maxsi %max3A_84, %add3A_78 : vector<1024x256xi32>
    %min3A_86 = vector.broadcast %get3A_11 : vector<1x256xi32> to vector<1024x256xi32>
    %min3A_87 = arith.minsi %min3A_86, %max3A_85 : vector<1024x256xi32>
    %get3A_88 = arith.constant 2 : index
    %get3A_89 = arith.constant 0 : index
    %get3A_90 = vector.load %arg4[%get3A_88, %get3A_89] : memref<4x256xi32, #tpu.memory_space<vmem>>, vector<1x256xi32>
    %mul3A_91 = vector.broadcast %get3A_90 : vector<1x256xi32> to vector<1024x256xi32>
    %mul3A_92 = arith.muli %min3A_87, %mul3A_91 : vector<1024x256xi32>
    %add3A_93 = arith.addi %add3A_62, %mul3A_92 : vector<1024x256xi32>
    %slice3A_94 = vector.extract_strided_slice %mul3A_5 {offsets = [0, 3], sizes = [1024, 1], strides = [1, 1]} : vector<1024x4xf32> to vector<1024x1xf32>
    %mul3A_95 = vector.broadcast %slice3A_94 : vector<1024x1xf32> to vector<1024x256xf32>
    %mul3A_96 = vector.broadcast %get3A_8 : vector<1x256xf32> to vector<1024x256xf32>
    %mul3A_97 = arith.mulf %mul3A_95, %mul3A_96 : vector<1024x256xf32>
    %add3A_98 = arith.constant 5.000000e-01 : f32
    %add3A_99 = vector.broadcast %add3A_98 : f32 to vector<1024x256xf32>
    %add3A_100 = arith.addf %mul3A_97, %add3A_99 : vector<1024x256xf32>
    %floor3A_101 = math.floor %add3A_100 : vector<1024x256xf32>
    %convert_element_type3A_102 = arith.fptosi %floor3A_101 : vector<1024x256xf32> to vector<1024x256xi32>
    %shift_right_arithmetic3A_103 = arith.constant 0 : i32
    %shift_right_arithmetic3A_104 = vector.broadcast %shift_right_arithmetic3A_103 : i32 to vector<1024x256xi32>
    %shift_right_arithmetic3A_105 = arith.shrsi %iota3A, %shift_right_arithmetic3A_104 : vector<1024x256xi32>
    %and3A_106 = arith.constant 1 : i32
    %and3A_107 = vector.broadcast %and3A_106 : i32 to vector<1024x256xi32>
    %and3A_108 = arith.andi %shift_right_arithmetic3A_105, %and3A_107 : vector<1024x256xi32>
    %add3A_109 = arith.addi %convert_element_type3A_102, %and3A_108 : vector<1024x256xi32>
    %mul3A_110 = arith.constant -620313867 : i32
    %mul3A_111 = vector.broadcast %mul3A_110 : i32 to vector<1024x256xi32>
    %mul3A_112 = arith.muli %add3A_109, %mul3A_111 : vector<1024x256xi32>
    %xor3A_113 = arith.xori %xor3A_82, %mul3A_112 : vector<1024x256xi32>
    %jit3A_114 = arith.constant 0 : i32
    %max3A_115 = vector.broadcast %jit3A_114 : i32 to vector<1024x256xi32>
    %max3A_116 = arith.maxsi %max3A_115, %add3A_109 : vector<1024x256xi32>
    %min3A_117 = vector.broadcast %get3A_11 : vector<1x256xi32> to vector<1024x256xi32>
    %min3A_118 = arith.minsi %min3A_117, %max3A_116 : vector<1024x256xi32>
    %get3A_119 = arith.constant 3 : index
    %get3A_120 = arith.constant 0 : index
    %get3A_121 = vector.load %arg4[%get3A_119, %get3A_120] : memref<4x256xi32, #tpu.memory_space<vmem>>, vector<1x256xi32>
    %mul3A_122 = vector.broadcast %get3A_121 : vector<1x256xi32> to vector<1024x256xi32>
    %mul3A_123 = arith.muli %min3A_118, %mul3A_122 : vector<1024x256xi32>
    %add3A_124 = arith.addi %add3A_93, %mul3A_123 : vector<1024x256xi32>
    %and3A_125 = arith.constant 524287 : i32
    %and3A_126 = vector.broadcast %and3A_125 : i32 to vector<1024x256xi32>
    %and3A_127 = arith.andi %xor3A_113, %and3A_126 : vector<1024x256xi32>
    %get3A_128 = arith.constant 0 : index
    %get3A_129 = arith.constant 0 : index
    %get3A_130 = vector.load %arg5[%get3A_128, %get3A_129] : memref<1x256xi32, #tpu.memory_space<vmem>>, vector<1x256xi32>
    %eq3A = arith.constant 1 : i32
    %eq3A_131 = vector.broadcast %eq3A : i32 to vector<1x256xi32>
    %eq3A_132 = arith.cmpi eq, %get3A_130, %eq3A_131 : vector<1x256xi32>
    %broadcast_in_dim3A = vector.shape_cast %eq3A_132 : vector<1x256xi1> to vector<1x256xi1>
    %broadcast_in_dim3A_133 = vector.broadcast %broadcast_in_dim3A : vector<1x256xi1> to vector<1024x256xi1>
    %select_n3A = arith.select %broadcast_in_dim3A_133, %add3A_124, %and3A_127 : vector<1024x256xi1>, vector<1024x256xi32>
    %get3A_134 = arith.constant 0 : index
    %get3A_135 = arith.constant 0 : index
    %get3A_136 = vector.load %arg6[%get3A_134, %get3A_135] : memref<1x256xi32, #tpu.memory_space<vmem>>, vector<1x256xi32>
    %add3A_137 = vector.broadcast %get3A_136 : vector<1x256xi32> to vector<1024x256xi32>
    %add3A_138 = arith.addi %select_n3A, %add3A_137 : vector<1024x256xi32>
    %swap3A = arith.constant 0 : index
    %swap3A_139 = arith.constant 0 : index
    %swap3A_140 = vector.load %arg7[%swap3A, %swap3A_139] : memref<1024x256xi32, #tpu.memory_space<vmem>>, vector<1024x256xi32>
    tpu.vector_store %arg7[%swap3A, %swap3A_139], %add3A_138 {strides = array<i32>} : memref<1024x256xi32, #tpu.memory_space<vmem>>, vector<1024x256xi32>,
    return
  }
  func.func @transform_0(%arg0: i32) -> (i32, i32) {
    %c0_i32 = arith.constant 0 : i32
    %c0_i32_0 = arith.constant 0 : i32
    return %arg0, %c0_i32 : i32, i32
  }
  func.func @transform_1(%arg0: i32) -> (i32, i32) {
    %c0_i32 = arith.constant 0 : i32
    %c0_i32_0 = arith.constant 0 : i32
    %c0_i32_1 = arith.constant 0 : i32
    return %c0_i32, %c0_i32_0 : i32, i32
  }
  func.func @transform_2(%arg0: i32) -> (i32, i32) {
    %c0_i32 = arith.constant 0 : i32
    %c0_i32_0 = arith.constant 0 : i32
    %c0_i32_1 = arith.constant 0 : i32
    return %c0_i32, %c0_i32_0 : i32, i32
  }
  func.func @transform_3(%arg0: i32) -> (i32, i32) {
    %c0_i32 = arith.constant 0 : i32
    %c0_i32_0 = arith.constant 0 : i32
    %c0_i32_1 = arith.constant 0 : i32
    return %c0_i32, %c0_i32_0 : i32, i32
  }
  func.func @transform_4(%arg0: i32) -> (i32, i32) {
    %c0_i32 = arith.constant 0 : i32
    %c0_i32_0 = arith.constant 0 : i32
    %c0_i32_1 = arith.constant 0 : i32
    return %c0_i32, %c0_i32_0 : i32, i32
  }
  func.func @transform_5(%arg0: i32) -> (i32, i32) {
    %c0_i32 = arith.constant 0 : i32
    %c0_i32_0 = arith.constant 0 : i32
    %c0_i32_1 = arith.constant 0 : i32
    return %c0_i32, %c0_i32_0 : i32, i32
  }
  func.func @transform_6(%arg0: i32) -> (i32, i32) {
    %c0_i32 = arith.constant 0 : i32
    %c0_i32_0 = arith.constant 0 : i32
    return %arg0, %c0_i32 : i32, i32
  }
}

module attributes {stable_mosaic.version = 14 : i64} {
  func.func @_mlp_body(%arg0: i32, %arg1: memref<1024x4xf32, #tpu.memory_space<vmem>>, %arg2: memref<1024x512xf32, #tpu.memory_space<vmem>>, %arg3: memref<1x512xf32, #tpu.memory_space<vmem>>, %arg4: memref<512x64xf32, #tpu.memory_space<vmem>>, %arg5: memref<1x64xf32, #tpu.memory_space<vmem>>, %arg6: memref<64x64xf32, #tpu.memory_space<vmem>>, %arg7: memref<1x64xf32, #tpu.memory_space<vmem>>, %arg8: memref<1x64xf32, #tpu.memory_space<vmem>>, %arg9: memref<1x1xf32, #tpu.memory_space<vmem>>, %arg10: memref<1024x1xf32, #tpu.memory_space<vmem>>) attributes {dimension_semantics = [#tpu.dimension_semantics<arbitrary>], iteration_bounds = array<i64: 128>, scalar_prefetch = 0 : i64, scratch_operands = 0 : i64, tpu.core_type = #tpu.core_type<tc>, window_params = [{transform_indices = @transform_0, window_bounds = array<i64: 1024, 4>}, {transform_indices = @transform_1, window_bounds = array<i64: 1024, 512>}, {pipeline_mode = #tpu.pipeline_mode<synchronous>, transform_indices = @transform_2, window_bounds = array<i64: 1, 512>}, {pipeline_mode = #tpu.pipeline_mode<synchronous>, transform_indices = @transform_3, window_bounds = array<i64: 512, 64>}, {pipeline_mode = #tpu.pipeline_mode<synchronous>, transform_indices = @transform_4, window_bounds = array<i64: 1, 64>}, {pipeline_mode = #tpu.pipeline_mode<synchronous>, transform_indices = @transform_5, window_bounds = array<i64: 64, 64>}, {pipeline_mode = #tpu.pipeline_mode<synchronous>, transform_indices = @transform_6, window_bounds = array<i64: 1, 64>}, {pipeline_mode = #tpu.pipeline_mode<synchronous>, transform_indices = @transform_7, window_bounds = array<i64: 1, 64>}, {pipeline_mode = #tpu.pipeline_mode<synchronous>, transform_indices = @transform_8, window_bounds = array<i64: 1, 1>}, {transform_indices = @transform_9, window_bounds = array<i64: 1024, 1>}]} {
    %get3A = arith.constant 0 : index
    %get3A_0 = arith.constant 0 : index
    %get3A_1 = vector.load %arg1[%get3A, %get3A_0] : memref<1024x4xf32, #tpu.memory_space<vmem>>, vector<1024x4xf32>
    %add3A = arith.constant 1.000000e+00 : f32
    %add3A_2 = vector.broadcast %add3A : f32 to vector<1024x4xf32>
    %add3A_3 = arith.addf %get3A_1, %add3A_2 : vector<1024x4xf32>
    %mul3A = arith.constant 5.000000e-01 : f32
    %mul3A_4 = vector.broadcast %mul3A : f32 to vector<1024x4xf32>
    %mul3A_5 = arith.mulf %add3A_3, %mul3A_4 : vector<1024x4xf32>
    %iota3A = tpu.iota {dimensions = array<i32: 1>} : vector<1024x512xi32>
    %get3A_6 = arith.constant 0 : index
    %get3A_7 = arith.constant 0 : index
    %get3A_8 = vector.load %arg3[%get3A_6, %get3A_7] : memref<1x512xf32, #tpu.memory_space<vmem>>, vector<1x512xf32>
    %slice3A = vector.extract_strided_slice %mul3A_5 {offsets = [0, 0], sizes = [1024, 1], strides = [1, 1]} : vector<1024x4xf32> to vector<1024x1xf32>
    %mul3A_9 = vector.broadcast %slice3A : vector<1024x1xf32> to vector<1024x512xf32>
    %mul3A_10 = vector.broadcast %get3A_8 : vector<1x512xf32> to vector<1024x512xf32>
    %mul3A_11 = arith.mulf %mul3A_9, %mul3A_10 : vector<1024x512xf32>
    %add3A_12 = arith.constant 5.000000e-01 : f32
    %add3A_13 = vector.broadcast %add3A_12 : f32 to vector<1024x512xf32>
    %add3A_14 = arith.addf %mul3A_11, %add3A_13 : vector<1024x512xf32>
    %floor3A = math.floor %add3A_14 : vector<1024x512xf32>
    %sub3A = arith.subf %add3A_14, %floor3A : vector<1024x512xf32>
    %shift_right_arithmetic3A = arith.constant 4 : i32
    %shift_right_arithmetic3A_15 = vector.broadcast %shift_right_arithmetic3A : i32 to vector<1024x512xi32>
    %shift_right_arithmetic3A_16 = arith.shrsi %iota3A, %shift_right_arithmetic3A_15 : vector<1024x512xi32>
    %and3A = arith.constant 1 : i32
    %and3A_17 = vector.broadcast %and3A : i32 to vector<1024x512xi32>
    %and3A_18 = arith.andi %shift_right_arithmetic3A_16, %and3A_17 : vector<1024x512xi32>
    %eq3A = arith.constant 1 : i32
    %eq3A_19 = vector.broadcast %eq3A : i32 to vector<1024x512xi32>
    %eq3A_20 = arith.cmpi eq, %and3A_18, %eq3A_19 : vector<1024x512xi32>
    %sub3A_21 = arith.constant 1.000000e+00 : f32
    %sub3A_22 = vector.broadcast %sub3A_21 : f32 to vector<1024x512xf32>
    %sub3A_23 = arith.subf %sub3A_22, %sub3A : vector<1024x512xf32>
    %select_n3A = arith.select %eq3A_20, %sub3A, %sub3A_23 : vector<1024x512xi1>, vector<1024x512xf32>
    %slice3A_24 = vector.extract_strided_slice %mul3A_5 {offsets = [0, 1], sizes = [1024, 1], strides = [1, 1]} : vector<1024x4xf32> to vector<1024x1xf32>
    %mul3A_25 = vector.broadcast %slice3A_24 : vector<1024x1xf32> to vector<1024x512xf32>
    %mul3A_26 = vector.broadcast %get3A_8 : vector<1x512xf32> to vector<1024x512xf32>
    %mul3A_27 = arith.mulf %mul3A_25, %mul3A_26 : vector<1024x512xf32>
    %add3A_28 = arith.constant 5.000000e-01 : f32
    %add3A_29 = vector.broadcast %add3A_28 : f32 to vector<1024x512xf32>
    %add3A_30 = arith.addf %mul3A_27, %add3A_29 : vector<1024x512xf32>
    %floor3A_31 = math.floor %add3A_30 : vector<1024x512xf32>
    %sub3A_32 = arith.subf %add3A_30, %floor3A_31 : vector<1024x512xf32>
    %shift_right_arithmetic3A_33 = arith.constant 3 : i32
    %shift_right_arithmetic3A_34 = vector.broadcast %shift_right_arithmetic3A_33 : i32 to vector<1024x512xi32>
    %shift_right_arithmetic3A_35 = arith.shrsi %iota3A, %shift_right_arithmetic3A_34 : vector<1024x512xi32>
    %and3A_36 = arith.constant 1 : i32
    %and3A_37 = vector.broadcast %and3A_36 : i32 to vector<1024x512xi32>
    %and3A_38 = arith.andi %shift_right_arithmetic3A_35, %and3A_37 : vector<1024x512xi32>
    %eq3A_39 = arith.constant 1 : i32
    %eq3A_40 = vector.broadcast %eq3A_39 : i32 to vector<1024x512xi32>
    %eq3A_41 = arith.cmpi eq, %and3A_38, %eq3A_40 : vector<1024x512xi32>
    %sub3A_42 = arith.constant 1.000000e+00 : f32
    %sub3A_43 = vector.broadcast %sub3A_42 : f32 to vector<1024x512xf32>
    %sub3A_44 = arith.subf %sub3A_43, %sub3A_32 : vector<1024x512xf32>
    %select_n3A_45 = arith.select %eq3A_41, %sub3A_32, %sub3A_44 : vector<1024x512xi1>, vector<1024x512xf32>
    %mul3A_46 = arith.mulf %select_n3A, %select_n3A_45 : vector<1024x512xf32>
    %slice3A_47 = vector.extract_strided_slice %mul3A_5 {offsets = [0, 2], sizes = [1024, 1], strides = [1, 1]} : vector<1024x4xf32> to vector<1024x1xf32>
    %mul3A_48 = vector.broadcast %slice3A_47 : vector<1024x1xf32> to vector<1024x512xf32>
    %mul3A_49 = vector.broadcast %get3A_8 : vector<1x512xf32> to vector<1024x512xf32>
    %mul3A_50 = arith.mulf %mul3A_48, %mul3A_49 : vector<1024x512xf32>
    %add3A_51 = arith.constant 5.000000e-01 : f32
    %add3A_52 = vector.broadcast %add3A_51 : f32 to vector<1024x512xf32>
    %add3A_53 = arith.addf %mul3A_50, %add3A_52 : vector<1024x512xf32>
    %floor3A_54 = math.floor %add3A_53 : vector<1024x512xf32>
    %sub3A_55 = arith.subf %add3A_53, %floor3A_54 : vector<1024x512xf32>
    %shift_right_arithmetic3A_56 = arith.constant 2 : i32
    %shift_right_arithmetic3A_57 = vector.broadcast %shift_right_arithmetic3A_56 : i32 to vector<1024x512xi32>
    %shift_right_arithmetic3A_58 = arith.shrsi %iota3A, %shift_right_arithmetic3A_57 : vector<1024x512xi32>
    %and3A_59 = arith.constant 1 : i32
    %and3A_60 = vector.broadcast %and3A_59 : i32 to vector<1024x512xi32>
    %and3A_61 = arith.andi %shift_right_arithmetic3A_58, %and3A_60 : vector<1024x512xi32>
    %eq3A_62 = arith.constant 1 : i32
    %eq3A_63 = vector.broadcast %eq3A_62 : i32 to vector<1024x512xi32>
    %eq3A_64 = arith.cmpi eq, %and3A_61, %eq3A_63 : vector<1024x512xi32>
    %sub3A_65 = arith.constant 1.000000e+00 : f32
    %sub3A_66 = vector.broadcast %sub3A_65 : f32 to vector<1024x512xf32>
    %sub3A_67 = arith.subf %sub3A_66, %sub3A_55 : vector<1024x512xf32>
    %select_n3A_68 = arith.select %eq3A_64, %sub3A_55, %sub3A_67 : vector<1024x512xi1>, vector<1024x512xf32>
    %mul3A_69 = arith.mulf %mul3A_46, %select_n3A_68 : vector<1024x512xf32>
    %slice3A_70 = vector.extract_strided_slice %mul3A_5 {offsets = [0, 3], sizes = [1024, 1], strides = [1, 1]} : vector<1024x4xf32> to vector<1024x1xf32>
    %mul3A_71 = vector.broadcast %slice3A_70 : vector<1024x1xf32> to vector<1024x512xf32>
    %mul3A_72 = vector.broadcast %get3A_8 : vector<1x512xf32> to vector<1024x512xf32>
    %mul3A_73 = arith.mulf %mul3A_71, %mul3A_72 : vector<1024x512xf32>
    %add3A_74 = arith.constant 5.000000e-01 : f32
    %add3A_75 = vector.broadcast %add3A_74 : f32 to vector<1024x512xf32>
    %add3A_76 = arith.addf %mul3A_73, %add3A_75 : vector<1024x512xf32>
    %floor3A_77 = math.floor %add3A_76 : vector<1024x512xf32>
    %sub3A_78 = arith.subf %add3A_76, %floor3A_77 : vector<1024x512xf32>
    %shift_right_arithmetic3A_79 = arith.constant 1 : i32
    %shift_right_arithmetic3A_80 = vector.broadcast %shift_right_arithmetic3A_79 : i32 to vector<1024x512xi32>
    %shift_right_arithmetic3A_81 = arith.shrsi %iota3A, %shift_right_arithmetic3A_80 : vector<1024x512xi32>
    %and3A_82 = arith.constant 1 : i32
    %and3A_83 = vector.broadcast %and3A_82 : i32 to vector<1024x512xi32>
    %and3A_84 = arith.andi %shift_right_arithmetic3A_81, %and3A_83 : vector<1024x512xi32>
    %eq3A_85 = arith.constant 1 : i32
    %eq3A_86 = vector.broadcast %eq3A_85 : i32 to vector<1024x512xi32>
    %eq3A_87 = arith.cmpi eq, %and3A_84, %eq3A_86 : vector<1024x512xi32>
    %sub3A_88 = arith.constant 1.000000e+00 : f32
    %sub3A_89 = vector.broadcast %sub3A_88 : f32 to vector<1024x512xf32>
    %sub3A_90 = arith.subf %sub3A_89, %sub3A_78 : vector<1024x512xf32>
    %select_n3A_91 = arith.select %eq3A_87, %sub3A_78, %sub3A_90 : vector<1024x512xi1>, vector<1024x512xf32>
    %mul3A_92 = arith.mulf %mul3A_69, %select_n3A_91 : vector<1024x512xf32>
    %get3A_93 = arith.constant 0 : index
    %get3A_94 = arith.constant 0 : index
    %get3A_95 = vector.load %arg2[%get3A_93, %get3A_94] : memref<1024x512xf32, #tpu.memory_space<vmem>>, vector<1024x512xf32>
    %mul3A_96 = arith.mulf %get3A_95, %mul3A_92 : vector<1024x512xf32>
    %get3A_97 = arith.constant 0 : index
    %get3A_98 = arith.constant 0 : index
    %get3A_99 = vector.load %arg4[%get3A_97, %get3A_98] : memref<512x64xf32, #tpu.memory_space<vmem>>, vector<512x64xf32>
    %dot_general3A = arith.constant dense<0.000000e+00> : vector<1024x64xf32>
    %dot_general3A_100 = tpu.matmul %mul3A_96, %get3A_99, %dot_general3A {dimension_numbers = #tpu.dot_dimension_numbers<[1], [0], [0], [1], [0, 0, 1, 1], [], []>, transpose_lhs_hint = false} : vector<1024x512xf32>, vector<512x64xf32>, vector<1024x64xf32> -> vector<1024x64xf32>
    %get3A_101 = arith.constant 0 : index
    %get3A_102 = arith.constant 0 : index
    %get3A_103 = vector.load %arg5[%get3A_101, %get3A_102] : memref<1x64xf32, #tpu.memory_space<vmem>>, vector<1x64xf32>
    %add3A_104 = vector.broadcast %get3A_103 : vector<1x64xf32> to vector<1024x64xf32>
    %add3A_105 = arith.addf %dot_general3A_100, %add3A_104 : vector<1024x64xf32>
    %max3A = arith.constant 0.000000e+00 : f32
    %max3A_106 = vector.broadcast %max3A : f32 to vector<1024x64xf32>
    %max3A_107 = arith.maximumf %add3A_105, %max3A_106 : vector<1024x64xf32>
    %get3A_108 = arith.constant 0 : index
    %get3A_109 = arith.constant 0 : index
    %get3A_110 = vector.load %arg6[%get3A_108, %get3A_109] : memref<64x64xf32, #tpu.memory_space<vmem>>, vector<64x64xf32>
    %dot_general3A_111 = arith.constant dense<0.000000e+00> : vector<1024x64xf32>
    %dot_general3A_112 = tpu.matmul %max3A_107, %get3A_110, %dot_general3A_111 {dimension_numbers = #tpu.dot_dimension_numbers<[1], [0], [0], [1], [0, 0, 1, 1], [], []>, transpose_lhs_hint = false} : vector<1024x64xf32>, vector<64x64xf32>, vector<1024x64xf32> -> vector<1024x64xf32>
    %get3A_113 = arith.constant 0 : index
    %get3A_114 = arith.constant 0 : index
    %get3A_115 = vector.load %arg7[%get3A_113, %get3A_114] : memref<1x64xf32, #tpu.memory_space<vmem>>, vector<1x64xf32>
    %add3A_116 = vector.broadcast %get3A_115 : vector<1x64xf32> to vector<1024x64xf32>
    %add3A_117 = arith.addf %dot_general3A_112, %add3A_116 : vector<1024x64xf32>
    %max3A_118 = arith.constant 0.000000e+00 : f32
    %max3A_119 = vector.broadcast %max3A_118 : f32 to vector<1024x64xf32>
    %max3A_120 = arith.maximumf %add3A_117, %max3A_119 : vector<1024x64xf32>
    %get3A_121 = arith.constant 0 : index
    %get3A_122 = arith.constant 0 : index
    %get3A_123 = vector.load %arg8[%get3A_121, %get3A_122] : memref<1x64xf32, #tpu.memory_space<vmem>>, vector<1x64xf32>
    %mul3A_124 = vector.broadcast %get3A_123 : vector<1x64xf32> to vector<1024x64xf32>
    %mul3A_125 = arith.mulf %max3A_120, %mul3A_124 : vector<1024x64xf32>
    %reduce_sum3A = arith.constant dense<0.000000e+00> : vector<1024xf32>
    %reduce_sum3A_126 = vector.multi_reduction <add>, %mul3A_125, %reduce_sum3A [1] : vector<1024x64xf32> to vector<1024xf32>
    %broadcast_in_dim3A = vector.shape_cast %reduce_sum3A_126 : vector<1024xf32> to vector<1024x1xf32>
    %get3A_127 = arith.constant 0 : index
    %get3A_128 = arith.constant 0 : index
    %get3A_129 = vector.load %arg9[%get3A_127, %get3A_128] : memref<1x1xf32, #tpu.memory_space<vmem>>, vector<1x1xf32>
    %add3A_130 = vector.broadcast %get3A_129 : vector<1x1xf32> to vector<1024x1xf32>
    %add3A_131 = arith.addf %broadcast_in_dim3A, %add3A_130 : vector<1024x1xf32>
    %swap3A = arith.constant 0 : index
    %swap3A_132 = arith.constant 0 : index
    %swap3A_133 = vector.load %arg10[%swap3A, %swap3A_132] : memref<1024x1xf32, #tpu.memory_space<vmem>>, vector<1024x1xf32>
    tpu.vector_store %arg10[%swap3A, %swap3A_132], %add3A_131 {strides = array<i32>} : memref<1024x1xf32, #tpu.memory_space<vmem>>, vector<1024x1xf32>,
    return
  }
  func.func @transform_0(%arg0: i32) -> (i32, i32) {
    %c0_i32 = arith.constant 0 : i32
    %c0_i32_0 = arith.constant 0 : i32
    return %arg0, %c0_i32 : i32, i32
  }
  func.func @transform_1(%arg0: i32) -> (i32, i32) {
    %c0_i32 = arith.constant 0 : i32
    %c0_i32_0 = arith.constant 0 : i32
    return %arg0, %c0_i32 : i32, i32
  }
  func.func @transform_2(%arg0: i32) -> (i32, i32) {
    %c0_i32 = arith.constant 0 : i32
    %c0_i32_0 = arith.constant 0 : i32
    %c0_i32_1 = arith.constant 0 : i32
    return %c0_i32, %c0_i32_0 : i32, i32
  }
  func.func @transform_3(%arg0: i32) -> (i32, i32) {
    %c0_i32 = arith.constant 0 : i32
    %c0_i32_0 = arith.constant 0 : i32
    %c0_i32_1 = arith.constant 0 : i32
    return %c0_i32, %c0_i32_0 : i32, i32
  }
  func.func @transform_4(%arg0: i32) -> (i32, i32) {
    %c0_i32 = arith.constant 0 : i32
    %c0_i32_0 = arith.constant 0 : i32
    %c0_i32_1 = arith.constant 0 : i32
    return %c0_i32, %c0_i32_0 : i32, i32
  }
  func.func @transform_5(%arg0: i32) -> (i32, i32) {
    %c0_i32 = arith.constant 0 : i32
    %c0_i32_0 = arith.constant 0 : i32
    %c0_i32_1 = arith.constant 0 : i32
    return %c0_i32, %c0_i32_0 : i32, i32
  }
  func.func @transform_6(%arg0: i32) -> (i32, i32) {
    %c0_i32 = arith.constant 0 : i32
    %c0_i32_0 = arith.constant 0 : i32
    %c0_i32_1 = arith.constant 0 : i32
    return %c0_i32, %c0_i32_0 : i32, i32
  }
  func.func @transform_7(%arg0: i32) -> (i32, i32) {
    %c0_i32 = arith.constant 0 : i32
    %c0_i32_0 = arith.constant 0 : i32
    %c0_i32_1 = arith.constant 0 : i32
    return %c0_i32, %c0_i32_0 : i32, i32
  }
  func.func @transform_8(%arg0: i32) -> (i32, i32) {
    %c0_i32 = arith.constant 0 : i32
    %c0_i32_0 = arith.constant 0 : i32
    %c0_i32_1 = arith.constant 0 : i32
    return %c0_i32, %c0_i32_0 : i32, i32
  }
  func.func @transform_9(%arg0: i32) -> (i32, i32) {
    %c0_i32 = arith.constant 0 : i32
    %c0_i32_0 = arith.constant 0 : i32
    return %arg0, %c0_i32 : i32, i32
  }
}

</mosaic_0001>

<sc_bundles>
// kernel: kernel.5.cloned.1.call-start
scs
__scs_entry_jumppad:
0x0: {  	(pc) =	sbr.rel $0x88, $3  }
0x1: {  	(tag) =	ssettag $0x0;
	lr =	simm.s32 $0x1  }
0x2: {  	[smem:$0x3F98] =	sst lr;
	_ =	strace $0xD0000000  }
0x3: {  	_ = 	snop  }
0x4: {  	_ = 	snop  }
0x5: {  	_ = 	snop  }
0x6: {  	_ = 	snop  }
0x7: {  	_ = 	snop  }
__scs_overlays_trampoline_lowered:
0x8: {  	[smem:$0x3FA7] =	sst s0  }
0x9: {  	[smem:$0x3FA8] =	sst s1  }
0xa: {  	[smem:$0x3FA9] =	sst s2  }
0xb: {  	[smem:$0x3FAA] =	sst s3  }
0xc: {  	[smem:$0x3FAB] =	sst s4  }
0xd: {  	[smem:$0x3FAC] =	sst s5  }
0xe: {  	[smem:$0x3FAD] =	sst s6  }
0xf: {  	[smem:$0x3FAE] =	sst s7  }
0x10: {  	[smem:$0x3FAF] =	sst s8  }
0x11: {  	[smem:$0x3FB0] =	sst s9;
	s0 =	simm.s32 @!p0 $0x0  }
0x12: {  	s1 =	sld [smem:$0x3F96];
	s0 =	simm.s32 @p0 $0x1  }
0x13: {  	[smem:$0x3FB1] =	sst s0;
	s0 =	simm.s32 @!p1 $0x0  }
0x14: {  	s2 =	sld [smem:$0x3F95];
	s0 =	simm.s32 @p1 $0x1  }
0x15: {  	[smem:$0x3FB2] =	sst s0;
	s0 =	simm.s32 @!p2 $0x0  }
0x16: {  	s3 =	sld [smem:$0x3FDB];
	s0 =	simm.s32 @p2 $0x1  }
0x17: {  	s4 =	simm.s32 $0x1BF5;
	[smem:$0x3FB4] =	sst s0  }
0x18: {  	s0 =	sld [smem:$0x3F97];
	_ =	swait.ge [sflag:s4], $0x0  }
0x19: {  	s7 =	sld [smem:$0x3F98]  }
0x1a: {  	s8 =	sadd.s32 $0xFFFFE003, lr  }
0x1b: {  	s9 =	sadd.s32 $0xFFFFFEF7, lr;
	s5 =	simm.s32 $0xFFFFFFFF;
	p2 =	slt.u32 s8, $0xFFFFF086  }
0x1c: {  	p1 =	slt.u32 s9, $0xF7A;
	s5 =	simm.s32 @!p2 $0x0  }
0x1d: {  	s5 =	simm.s32 @p1 $0x1;
	p0 =	seq.s32 s7, s2  }
0x1e: {  	s7 =	smul.u32 @!p0 $0xF7A, s2;
	p2 =	seq.s32 @!p0 s5, $0x0  }
0x1f: {  	s9 =	smul.u32 $0xF7A, s1;
	s8 =	simm.s32 @!p0 $0x1BF5;
	p2 =	por !p2, p0  }
0x20: {  	[sflag:s8] =	ssyncset.s32 @!p0 $0xFFFFF086;
	s6 =	sadd.s32 @!p0 s3, s7;
	s7 =	simm.s32 @!p0 $0x108  }
0x21: {  	s3 =	sadd.s32 s3, s9;
	s6 =	sadd.s32 @!p0 $0x88, s6;
	s7 =	simm.s32 @p2 $0x1082  }
0x22: {  	[simem:s7], [sflag:s8] =	dma.local @!p0 [hbm:s6], $0xF7A  }
0x23: {  	s9 =	sor.u32 $0xD0000000, s2;
	s6 =	simm.s32 $0x108;
	_ =	swait.ge @!p0 [sflag:s8], $0x0  }
0x24: {  	s3 =	sadd.s32 $0x88, s3;
	s6 =	simm.s32 @!p1 $0x1082;
	[sflag:s4] =	ssyncset.s32 $0xFFFFF086  }
0x25: {  	[simem:s6], [sflag:s4] =	dma.local [hbm:s3], $0xF7A  }
0x26: {  	[smem:$0x3F98] =	sst s1;
	(tag) =	ssettag s2;
	_ =	strace s9  }
0x27: {  	s1 =	sld [smem:$0x3FA8]  }
0x28: {  	s2 =	sld [smem:$0x3FA9]  }
0x29: {  	s4 =	sld [smem:$0x3FAB]  }
0x2a: {  	p0 =	seq.s32 s5, $0x0;
	s5 =	sld [smem:$0x3FAC]  }
0x2b: {  	s6 =	sld [smem:$0x3FAD]  }
0x2c: {  	s7 =	sld [smem:$0x3FAE]  }
0x2d: {  	s3 =	simm.s32 $0x108;
	s8 =	sld [smem:$0x3FAF]  }
0x2e: {  	s3 =	simm.s32 @!p0 $0x1082;
	s9 =	sld [smem:$0x3FB0]  }
0x2f: {  	lr =	sadd.s32 s0, s3;
	s0 =	sld [smem:$0x3FA7]  }
0x30: {  	s3 =	sld [smem:$0x3FAA]  }
0x31: {  	[smem:$0x3FB3] =	sst s10  }
0x32: {  	s10 =	sld [smem:$0x3FB1];
	_ =	sdelay $0x3  }
0x33: {  	p0 =	seq.s32 s10, $0x1;
	s10 =	sld [smem:$0x3FB3];
	_ =	sdelay $0x3  }
0x34: {  	[smem:$0x3FB3] =	sst s10  }
0x35: {  	s10 =	sld [smem:$0x3FB2];
	_ =	sdelay $0x3  }
0x36: {  	p1 =	seq.s32 s10, $0x1;
	s10 =	sld [smem:$0x3FB3];
	_ =	sdelay $0x3  }
0x37: {  	[smem:$0x3FB3] =	sst s10  }
0x38: {  	s10 =	sld [smem:$0x3FB4]  }
0x39: {  	_ = 	snop;
	(pc) =	sbr.ind lr, $3  }
0x3a: {  	_ = 	snop  }
0x3b: {  	_ = 	snop  }
0x3c: {  	p2 =	seq.s32 s10, $0x1;
	s10 =	sld [smem:$0x3FB3]  }
0x3d: {  	_ =	shalt  }
0x3e: {  	_ =	shalt  }
0x3f: {  	_ =	shalt  }
0x40: {  	_ =	shalt  }
0x41: {  	_ =	shalt  }
0x42: {  	_ =	shalt  }
0x43: {  	_ =	shalt  }
0x44: {  	_ =	shalt  }
0x45: {  	_ =	shalt  }
0x46: {  	_ =	shalt  }
0x47: {  	_ =	shalt  }
0x48: {  	_ =	shalt  }
0x49: {  	_ =	shalt  }
0x4a: {  	_ =	shalt  }
0x4b: {  	_ =	shalt  }
0x4c: {  	_ =	shalt  }
0x4d: {  	_ =	shalt  }
0x4e: {  	_ =	shalt  }
0x4f: {  	_ =	shalt  }
0x50: {  	_ =	shalt  }
0x51: {  	_ =	shalt  }
0x52: {  	_ =	shalt  }
0x53: {  	_ =	shalt  }
0x54: {  	_ =	shalt  }
0x55: {  	_ =	shalt  }
0x56: {  	_ =	shalt  }
0x57: {  	_ =	shalt  }
0x58: {  	_ =	shalt  }
0x59: {  	_ =	shalt  }
0x5a: {  	_ =	shalt  }
0x5b: {  	_ =	shalt  }
0x5c: {  	_ =	shalt  }
0x5d: {  	_ =	shalt  }
0x5e: {  	_ =	shalt  }
0x5f: {  	_ =	shalt  }
0x60: {  	_ =	shalt  }
0x61: {  	_ =	shalt  }
0x62: {  	_ =	shalt  }
0x63: {  	_ =	shalt  }
0x64: {  	_ =	shalt  }
0x65: {  	_ =	shalt  }
0x66: {  	_ =	shalt  }
0x67: {  	_ =	shalt  }
0x68: {  	_ =	shalt  }
0x69: {  	_ =	shalt  }
0x6a: {  	_ =	shalt  }
0x6b: {  	_ =	shalt  }
0x6c: {  	_ =	shalt  }
0x6d: {  	_ =	shalt  }
0x6e: {  	_ =	shalt  }
0x6f: {  	_ =	shalt  }
0x70: {  	_ =	shalt  }
0x71: {  	_ =	shalt  }
0x72: {  	_ =	shalt  }
0x73: {  	_ =	shalt  }
0x74: {  	_ =	shalt  }
0x75: {  	_ =	shalt  }
0x76: {  	_ =	shalt  }
0x77: {  	_ =	shalt  }
0x78: {  	_ =	shalt  }
0x79: {  	_ =	shalt  }
0x7a: {  	_ =	shalt  }
0x7b: {  	_ =	shalt  }
0x7c: {  	_ =	shalt  }
0x7d: {  	_ =	shalt  }
0x7e: {  	_ =	shalt  }
0x7f: {  	_ =	shalt  }
0x80: {  	_ =	shalt  }
0x81: {  	_ =	shalt  }
0x82: {  	_ =	shalt  }
0x83: {  	_ =	shalt  }
0x84: {  	_ =	shalt  }
0x85: {  	_ =	shalt  }
0x86: {  	_ =	shalt  }
0x87: {  	_ =	shalt  }
.Lfunc_end0:
.L_simem_size_0:
called_computation.1_lowered:
.L_overlay_start_0:
0x88: {  	s2 =	sld [smem:$0x3FD9]  }
0x89: {  	s3 =	sld [smem:$0x3FFE];
	_ =	sdelay $0x1  }
0x8a: {  	s1 =	srdreg.scid  }
0x8b: {  	s0 =	sand.u32 $0x1, s1  }
0x8c: {  	s16 =	sshll.u32 s0, $0xA;
	s2 =	sadd.s32 s3, s2  }
0x8d: {  	s2 =	sadd.s32 s2, s16  }
0x8e: {  	[smem:$0x3FBF] =	sst s2  }
0x8f: {  	_ = 	snop  }
0x90: {  	(tm) =	ssettm $0x1  }
0x91: {  	s17 =	sld [smem:$0x3FFB];
	_ =	sdelay $0x3  }
0x92: {  	_ =	strace s17  }
0x93: {  	s2 =	sld [smem:$0x3FFC];
	_ =	sdelay $0x3  }
0x94: {  	_ =	strace s2  }
0x95: {  	s2 =	sld [smem:$0x3FFD];
	_ =	sdelay $0x3  }
0x96: {  	_ =	strace s2  }
0x97: {  	_ =	strace $0x8FFFFFFF  }
0x98: {  	s18 =	sld [smem:$0x3FDB];
	_ =	sdelay $0x1  }
0x99: {  	s19 =	simm.s32 $_scs_section_size  }
0x9a: {  	s4 =	simm.s32 $_size__tile_overlayer_lowered;
	s5 =	simm.s32 $_tile_overlayer_lowered  }
0x9b: {  	s22 =	simm.s32 $0x1BFF;
	s21 =	sshll.u32 s5, $0x1;
	s2 =	sadd.s32 s19, s18  }
0x9c: {  	s6 =	simm.s32 $0x0;
	s20 =	sshll.u32 s4, $0x1;
	s4 =	sadd.s32 s21, s2  }
0x9d: {  	[timem:s6], [sflag:s22] =	dma.local [hbm:s4], s20  }
0x9e: {  	_ =	swait.ge [sflag:s22], s20  }
0x9f: {  	s3 =	ssub.s32 $0x0, s20;
	[sflag:s22] =	ssyncset.done $0x0  }
0xa0: {  	[sflag:s22] =	ssyncadd.s32 s3;
	_ =	sdelay $0x1  }
0xa1: {  	s23 =	simm.s32 $0x1B8B  }
0xa2: {  	_ =	swait.ge [sflag:s23], $0x1  }
0xa3: {  	[sflag:s23] =	ssyncset.done $0x0  }
0xa4: {  	s25 =	simm.s32 $0x1B8E;
	s24 =	sld [smem:$0x3FFE];
	[sflag:s23] =	ssyncadd.s32 $0xFFFFFFFF  }
0xa5: {  	s26 =	simm.s32 $execute0_lowered;
	[smem:$0x3FD2] =	sst s25  }
0xa6: {  	s4 =	sshll.u32 s26, $0x1;
	_ =	strace $0x80000049;
	[dreg:$0x1] =	wrdreg $0xFFFFFFFF  }
0xa7: {  	s28 =	simm.s32 $_size_execute0_lowered;
	s2 =	sadd.s32 s2, s4;
	[dreg:$0x0] =	wrdreg $0x0  }
0xa8: {  	s4 =	sshll.u32 s28, $0x1;
	[dreg:$0x2] =	wrdreg s2  }
0xa9: {  	[dreg:$0x3] =	wrdreg s4  }
0xaa: {  	[dreg:$0x4] =	wrdreg $0xC0  }
0xab: {  	_ =	task [dreg:s6], $0x5FFFF  }
0xac: {  	[dreg:$0x1] =	wrdreg $0xFFFFFFFF  }
0xad: {  	[dreg:$0x0] =	wrdreg $0x60  }
0xae: {  	[dreg:$0x2] =	wrdreg s24  }
0xaf: {  	[dreg:$0x3] =	wrdreg $0x9  }
0xb0: {  	_ =	task.clear_ibuf [dreg:s6], $0x4FFFF;
	_ =	strace $0x90000049  }
0xb1: {  	s29 =	simm.s32 $0x9;
	_ =	strace $0x8000004B  }
0xb2: {  	_ =	swait.ge [sflag:s29], $0x1  }
0xb3: {  	[sflag:s29] =	ssyncadd.s32 $0xFFFFFFFF  }
0xb4: {  	_ =	strace $0x9000004B  }
0xb5: {  	_ =	sfence  }
0xb6: {  	s30 =	sld [smem:$0x0];
	_ =	sdelay $0x2  }
0xb7: {  	s31 =	sshll.u32 s1, $0xD;
	s1 =	sshrl.u32 s1, $0x2  }
0xb8: {  	s3 =	sand.u32 $0x4000, s31;
	s1 =	sadd.s32 s1, s30  }
0xb9: {  	s0 =	sor.u32 s3, s0;
	s1 =	sshll.u32 s1, $0x11  }
0xba: {  	s0 =	sor.u32 s1, s0  }
0xbb: {  	s0 =	sadd.s32 $0x8F2B, s0  }
0xbc: {  	[sflag:s0] =	ssyncadd.remote.s32 $0x1  }
0xbd: {  	_ =	sfence.sel $0xFFFF  }
0xbe: {  	[dreg:$0x0] =	wrdreg $0xFFFFFFFF;
	(pc) =	sbr.abs _section_cstart, $3  }
0xbf: {  	[dreg:$0x1] =	wrdreg $0xFFFFFFFF  }
0xc0: {  	_ =	task.clear_ibuf [dreg:s6], $0x2FFFF;
	_ =	strace $0x9FFFFFFF  }
0xc1: {  	(tm) =	ssettm $0x7FFFFFFF  }
tec
execute0_lowered:
.L_overlay_start_1:
0x0: {  	(tag) =	ssettag $0x1  }
0x1: {  	s5 =	rddreg [dreg:$0x0]  }
0x2: {  	s0 =	rddreg [dreg:$0x1];
	s1 =	simm.s32 $0x0  }
0x3: {  	s2 =	srdreg.scid;
	s9 =	simm.s32 $0x1000;
	s10 =	simm.s32 $0x2000  }
0x4: {  	s11 =	simm.s32 $0x1;
	s12 =	simm.s32 $0xA000;
	s13 =	simm.s32 $0x0  }
0x5: {  	[smem:$0x7FF] =	sst s1;
	s6 =	sand.u32 $0x1, s2;
	s3 =	sadd.s32 $0x8A01E00, s5  }
0x6: {  	s4 =	sadd.s32 $0x601E00, s5;
	s2 =	stileid.u32;
	s7 =	ssub.s32 $0x2, s6  }
0x7: {  	s5 =	sadd.s32 $0xA01E00, s5;
	_ =	strace $0x8000004A;
	s8 =	sshrl.u32 s7, $0x1  }
0x8: {  	s31 =	sshll.u32 s2, $0x15;
	s6 =	sshll.u32 s6, $0x14;
	s7 =	ssub.s32 s7, s8  }
0x9: {  	v0 =	vlaneseq.u32;
	s6 =	sor.u32 s6, s31;
	s8 =	simm.s32 $0x2;
	s7 =	smax.u32 s7, $0x1  }
.LBB2_1:
0xa: {  	s14 =	simm.s32 $0x0  }
.LBB2_2:
0xb: {  	s15 =	sshll.u32 s14, $0xC  }
0xc: {  	s15 =	sadd.s32 s6, s15  }
0xd: {  	s16 =	sshrl.u32 s15, $0x3  }
0xe: {  	s17 =	simm.s32 $0x0;
	s16 =	sadd.s32 s4, s16  }
0xf: {  	[tilespmem:s17], [sflag:$0x2] =	stream.linear.gather [hbm4b:s16+s17], $0x1000, $0x38;
	[tilespmem:$0xC000] =	vst v63  }
0x10: {  	_ =	swait.ge [sflag:s8], $0x1000  }
0x11: {  	[sflag:s8] =	ssyncset.done $0x0  }
0x12: {  	s16 =	simm.s32 $0x0;
	[sflag:s8] =	ssyncadd.s32 $0xFFFFF000  }
0x13: {  	s17 =	simm.s32 $0x40;
	v1 =	vld [tilespmem:s16+$0x0]  }
.LBB2_3:
0x14: {  	p0 =	sne.s32 s17, $0x3FC0  }
.Ltmp0:
0x15: {  	_ = 	snop;
	(pc) =	sbr.rel @p0 .LBB2_3-.Ltmp0, $3  }
0x16: {  	_ =	sdelay $0x1  }
0x17: {  	s18 =	sshra.s32 s17, $0x2;
	s17 =	sadd.s32 $0x40, s17;
	v2 =	vshra.s32 v1, $0x2  }
0x18: {  	v1 =	vld [tilespmem:s18+$0x0];
	[tilespmem:s16+$0x1000] =	vst v2;
	s16 =	smov.u32 s18  }
0x19: {  	_ =	sdelay $0x3  }
0x1a: {  	v1 =	vshra.s32 v1, $0x2  }
0x1b: {  	[tilespmem:s16+$0x1000] =	vst v1  }
0x1c: {  	[tilespmem:s10], [sflag:$0x1] =	stream.indirect.gather [hbm4b:s3+s9], $0x8, s9, s9, $0xb8;
	[tilespmem:$0xC000] =	vst v63  }
0x1d: {  	_ =	swait.ge [sflag:s11], $0x8000  }
0x1e: {  	[sflag:s11] =	ssyncset.done $0x0  }
0x1f: {  	s16 =	simm.s32 $0x0;
	[sflag:s11] =	ssyncadd.s32 $0xFFFF8000  }
0x20: {  	s17 =	simm.s32 $0x10;
	s18 =	simm.s32 $0x0;
	v1 =	vld [tilespmem:s16+$0x0]  }
.LBB2_5:
0x21: {  	p0 =	sne.s32 s17, $0xFF0;
	_ =	sdelay $0x3  }
0x22: {  	v2 =	vor.u32 s16, v0;
	s16 =	smov.u32 s17;
	v1 =	vshll.u32 v1, $0x1  }
0x23: {  	v3 =	vshll.u32 v2, $0x3;
	v1 =	vand.u32 $0x6, v1  }
0x24: {  	v1 =	vor.u32 v3, v1  }
0x25: {  	v3 =	vor.u32 $0x1, v1;
	_ =	sdelay $0x3  }
0x26: {  	v1 =	vld.idx.msk [tilespmem:v1+s10+$0x0], $0xffff  }
0x27: {  	v2 =	vshll.u32 v2, $0x1;
	v3 =	vld.idx.msk [tilespmem:v3+s10+$0x0], $0xffff  }
0x28: {  	v4 =	vor.u32 $0x1, v2;
	_ =	sdelay $0x1  }
.Ltmp1:
0x29: {  	(pc) =	sbr.rel @p0 .LBB2_5-.Ltmp1, $4  }
0x2a: {  	_ = 	snop  }
0x2b: {  	[tilespmem:v2+s12+$0x0] =	vst.idx.msk $0xffff, v1  }
0x2c: {  	s18 =	sadd.s32 $0x10, s18;
	[tilespmem:v4+s12+$0x0] =	vst.idx.msk $0xffff, v3  }
0x2d: {  	s17 =	sadd.s32 $0x10, s17;
	v1 =	vld [tilespmem:s18+$0x0]  }
0x2e: {  	_ =	sdelay $0x3  }
0x2f: {  	v2 =	vor.u32 s16, v0;
	v1 =	vshll.u32 v1, $0x1  }
0x30: {  	v3 =	vshll.u32 v2, $0x3;
	v1 =	vand.u32 $0x6, v1  }
0x31: {  	v1 =	vor.u32 v3, v1  }
0x32: {  	v3 =	vor.u32 $0x1, v1;
	_ =	sdelay $0x3  }
0x33: {  	v2 =	vshll.u32 v2, $0x1;
	v1 =	vld.idx.msk [tilespmem:v1+s10+$0x0], $0xffff  }
0x34: {  	v4 =	vor.u32 $0x1, v2;
	v3 =	vld.idx.msk [tilespmem:v3+s10+$0x0], $0xffff;
	_ =	sdelay $0x2  }
0x35: {  	s14 =	sadd.s32 $0x1, s14  }
0x36: {  	s15 =	sshrl.u32 s15, $0x2;
	p0 =	sne.s32 s14, $0x100;
	[tilespmem:v2+s12+$0x0] =	vst.idx.msk $0xffff, v1  }
.Ltmp2:
0x37: {  	s15 =	sadd.s32 s5, s15;
	[tilespmem:v4+s12+$0x0] =	vst.idx.msk $0xffff, v3;
	(pc) =	sbr.rel @p0 .LBB2_2-.Ltmp2, $4  }
0x38: {  	[hbm4b:s15+s1] =	stream.linear.scatter [tilespmem:s12], [sflag:$0x2], $0x2000, $0x38;
	[tilespmem:$0xC000] =	vst v63  }
0x39: {  	_ =	swait.ge [sflag:s8], $0x2000  }
0x3a: {  	[sflag:s8] =	ssyncset.done $0x0  }
0x3b: {  	[sflag:s8] =	ssyncadd.s32 $0xFFFFE000  }
0x3c: {  	s13 =	sadd.s32 $0x1, s13  }
0x3d: {  	p0 =	sne.s32 s13, s7  }
.Ltmp3:
0x3e: {  	_ = 	snop;
	(pc) =	sbr.rel @p0 .LBB2_1-.Ltmp3, $1  }
0x3f: {  	_ =	sdelay $0x3  }
0x40: {  	_ =	sfence.sel $0x180000  }
0x41: {  	[bflag:$0x0] =	sbarrier.arrive $0xFFFF  }
0x42: {  	p0 =	sne.s32 s2, $0x0;
	_ =	strace $0x9000004A  }
0x43: {  	s0 =	sadd.s32 @!p0 $0x100000, s0;
	[bflag:$0x2] =	sbarrier.arrive $0xFFFF  }
0x44: {  	[sflag:s0] =	ssyncadd.tile.s32 @!p0 $0x1;
	_ =	shalt  }
.Lfunc_end2:
_tile_overlayer_lowered:
.L_overlay_start_2:
0x45: {  	(tag) =	ssettag $0x2  }
0x46: {  	s0 =	rddreg [dreg:$0x0];
	s2 =	stileid.u32  }
0x47: {  	s1 =	rddreg [dreg:$0x1];
	p0 =	sne.s32 s2, $0x0  }
0x48: {  	s3 =	rddreg [dreg:$0x2];
	[bflag:$0x3] =	sbarrier.arrive $0xFFFF;
	s2 =	simm.s32 @!p0 $0x1C02  }
0x49: {  	[timem:s3], [sflag:s2] =	dma.local @!p0 [hbm:s0], s1  }
0x4a: {  	s0 =	simm.s32 @!p0 $0x2  }
0x4b: {  	_ =	swait.ge @!p0 [sflag:s0], s1  }
0x4c: {  	s1 =	ssub.s32 @!p0 $0x0, s1;
	[sflag:s0] =	ssyncset.done @!p0 $0x0  }
0x4d: {  	[sflag:s0] =	ssyncadd.s32 @!p0 s1  }
0x4e: {  	[bflag:$0x3] =	sbarrier.arrive $0xFFFF  }
0x4f: {  	_ =	shalt  }

// kernel: sparse-core-data-format-call.cloned.1.call-start
scs
called_computation_lowered:
.L_overlay_start_0:
0x0: {  	s1 =	sld [smem:$0x3FD9]  }
0x1: {  	s2 =	sld [smem:$0x3FFE];
	_ =	sdelay $0x1  }
0x2: {  	s3 =	srdreg.scid  }
0x3: {  	s0 =	sand.u32 $0x1, s3  }
0x4: {  	s17 =	sshll.u32 s0, $0xA;
	s1 =	sadd.s32 s2, s1  }
0x5: {  	s1 =	sadd.s32 s1, s17  }
0x6: {  	[smem:$0x3FBF] =	sst s1  }
0x7: {  	_ = 	snop  }
0x8: {  	(tm) =	ssettm $0x1  }
0x9: {  	s18 =	sld [smem:$0x3FFB];
	_ =	sdelay $0x3  }
0xa: {  	_ =	strace s18  }
0xb: {  	s1 =	sld [smem:$0x3FFC];
	_ =	sdelay $0x3  }
0xc: {  	_ =	strace s1  }
0xd: {  	s1 =	sld [smem:$0x3FFD];
	_ =	sdelay $0x3  }
0xe: {  	_ =	strace s1  }
0xf: {  	_ =	strace $0x8FFFFFFF  }
0x10: {  	s19 =	sld [smem:$0x3FDB];
	_ =	sdelay $0x1  }
0x11: {  	s20 =	simm.s32 $_scs_section_size  }
0x12: {  	s4 =	simm.s32 $_size__tile_overlayer_lowered;
	s5 =	simm.s32 $_tile_overlayer_lowered  }
0x13: {  	s23 =	simm.s32 $0x1BFF;
	s22 =	sshll.u32 s5, $0x1;
	s1 =	sadd.s32 s20, s19  }
0x14: {  	s6 =	simm.s32 $0x0;
	s21 =	sshll.u32 s4, $0x1;
	s4 =	sadd.s32 s22, s1  }
0x15: {  	[timem:s6], [sflag:s23] =	dma.local [hbm:s4], s21  }
0x16: {  	_ =	swait.ge [sflag:s23], s21  }
0x17: {  	s2 =	ssub.s32 $0x0, s21;
	[sflag:s23] =	ssyncset.done $0x0  }
0x18: {  	[sflag:s23] =	ssyncadd.s32 s2;
	_ =	sdelay $0x1  }
0x19: {  	s24 =	simm.s32 $0x1B8B  }
0x1a: {  	_ =	swait.ge [sflag:s24], $0x1  }
0x1b: {  	[sflag:s24] =	ssyncset.done $0x0  }
0x1c: {  	s26 =	simm.s32 $0x1B8E;
	s25 =	sld [smem:$0x3FFE];
	[sflag:s24] =	ssyncadd.s32 $0xFFFFFFFF  }
0x1d: {  	s27 =	simm.s32 $execute0_lowered;
	[smem:$0x3FD2] =	sst s26  }
0x1e: {  	s4 =	sshll.u32 s27, $0x1;
	_ =	strace $0x80000046;
	[dreg:$0x1] =	wrdreg $0xFFFFFFFF  }
0x1f: {  	s28 =	simm.s32 $_size_execute0_lowered;
	s1 =	sadd.s32 s1, s4;
	[dreg:$0x0] =	wrdreg $0x0  }
0x20: {  	s4 =	sshll.u32 s28, $0x1;
	[dreg:$0x2] =	wrdreg s1  }
0x21: {  	[dreg:$0x3] =	wrdreg s4  }
0x22: {  	[dreg:$0x4] =	wrdreg $0xC0  }
0x23: {  	_ =	task [dreg:s6], $0x5FFFF  }
0x24: {  	[dreg:$0x1] =	wrdreg $0xFFFFFFFF  }
0x25: {  	[dreg:$0x0] =	wrdreg $0x60  }
0x26: {  	[dreg:$0x2] =	wrdreg s25  }
0x27: {  	[dreg:$0x3] =	wrdreg $0x9  }
0x28: {  	_ =	task.clear_ibuf [dreg:s6], $0x4FFFF;
	_ =	strace $0x90000046  }
0x29: {  	s29 =	simm.s32 $0x9;
	_ =	strace $0x80000048  }
0x2a: {  	_ =	swait.ge [sflag:s29], $0x1  }
0x2b: {  	[sflag:s29] =	ssyncadd.s32 $0xFFFFFFFF  }
0x2c: {  	_ =	strace $0x90000048  }
0x2d: {  	_ =	sfence  }
0x2e: {  	s30 =	sld [smem:$0x0];
	_ =	sdelay $0x2  }
0x2f: {  	s31 =	sshll.u32 s3, $0xD;
	s3 =	sshrl.u32 s3, $0x2  }
0x30: {  	s2 =	sand.u32 $0x4000, s31;
	s1 =	sadd.s32 s3, s30  }
0x31: {  	s0 =	sor.u32 s2, s0;
	s1 =	sshll.u32 s1, $0x11  }
0x32: {  	s0 =	sor.u32 s1, s0  }
0x33: {  	s0 =	sadd.s32 $0x8F2B, s0  }
0x34: {  	[sflag:s0] =	ssyncadd.remote.s32 $0x1  }
0x35: {  	_ =	sfence.sel $0xFFFF  }
0x36: {  	[dreg:$0x0] =	wrdreg $0xFFFFFFFF;
	(pc) =	sbr.abs _section_cstart, $3  }
0x37: {  	[dreg:$0x1] =	wrdreg $0xFFFFFFFF  }
0x38: {  	_ =	task.clear_ibuf [dreg:s6], $0x2FFFF;
	_ =	strace $0x9FFFFFFF  }
0x39: {  	(tm) =	ssettm $0x7FFFFFFF  }
tec
execute0_lowered:
.L_overlay_start_1:
0x0: {  	(tag) =	ssettag $0x1  }
0x1: {  	s0 =	srdreg.scid  }
0x2: {  	s1 =	sshll.u32 s0, $0x4  }
0x3: {  	s4 =	rddreg [dreg:$0x0];
	s0 =	stileid.u32;
	s1 =	sand.u32 $0x10, s1  }
0x4: {  	s7 =	simm.s32 $0x1;
	s8 =	simm.s32 $0x2;
	s2 =	sor.u32 s0, s1  }
0x5: {  	s9 =	simm.s32 $0x0;
	s12 =	simm.s32 $0x0;
	s2 =	sshll.u32 s2, $0x3  }
0x6: {  	s11 =	simm.s32 $0x0;
	s3 =	sadd.s32 $0x201E00, s4;
	s6 =	ssub.s32 $0x4000, s2  }
.Ltmp0:
0x7: {  	s4 =	sadd.s32 $0x601E00, s4;
	s5 =	sand.u32 $0xF8, s6;
	(pc) =	sbr.rel .LBB1_1-.Ltmp0, $4  }
0x8: {  	s1 =	rddreg [dreg:$0x1];
	_ =	strace $0x80000047;
	p0 =	sne.s32 s5, $0x0  }
0x9: {  	s6 =	sshrl.u32 s6, $0x8;
	s5 =	simm.s32 $0x1;
	s7 =	simm.s32 @!p0 $0x0  }
0xa: {  	s10 =	smov.u32 s2;
	[sflag:s5] =	ssyncpa.u1 $0x0;
	s6 =	sadd.s32 s7, s6  }
0xb: {  	[sflag:s8] =	ssyncpa.u1 $0x0;
	s8 =	simm.s32 $0x0;
	s7 =	sadd.s32 $0x1, s6  }
.LBB1_9:
0xc: {  	s14 =	sadd.s32 $0x100, s10  }
0xd: {  	p1 =	sgt.s32 s14, $0x3FFF  }
0xe: {  	s14 =	smov.u32 @p1 s2;
	p1 =	sne.s32 s11, s7  }
.Ltmp1:
0xf: {  	p0 =	slt.u32 s11, $0x2;
	(pc) =	sbr.rel @!p1 .LBB1_10-.Ltmp1, $4  }
0x10: {  	s13 =	simm.s32 @!p0 $0x2  }
0x11: {  	s15 =	sadd.s32 $0x1, s11;
	_ =	swait.ge @!p0 [sflag:s13], $0x4000  }
0x12: {  	s12 =	smov.u32 s10;
	s9 =	sadd.s32 $0x4000, s9;
	[sflag:s13] =	ssyncset.done @!p0 $0x0  }
0x13: {  	s11 =	smov.u32 s15;
	s10 =	smov.u32 s14;
	[sflag:s13] =	ssyncadd.s32 @!p0 $0xFFFFC000  }
.LBB1_1:
0x14: {  	p0 =	sge.u32 s11, s6  }
0x15: {  	s13 =	sxor.u32 @!p0 $0xFFFFFFFF, s11  }
0x16: {  	s31 =	sadd.s32 $0xFFFFFFFF, s11;
	s14 =	sshll.u32 @!p0 s10, $0x8;
	s13 =	sshll.u32 @!p0 s13, $0xE  }
0x17: {  	s15 =	simm.s32 @!p0 $0x0;
	s14 =	sadd.s32 @!p0 s3, s14;
	s13 =	sand.u32 @!p0 $0x4000, s13  }
0x18: {  	[tilespmem:s13], [sflag:$0x1] =	stream.linear.gather @!p0 [hbm4b:s14+s15], $0x4000, $0x38;
	[tilespmem:$0x10000] =	vst v63  }
0x19: {  	p0 =	sge.u32 s31, s6  }
.Ltmp2:
0x1a: {  	_ = 	snop;
	(pc) =	sbr.rel @p0 .LBB1_9-.Ltmp2, $1  }
0x1b: {  	_ =	sdelay $0x3  }
0x1c: {  	s13 =	sshll.u32 s9, $0x2;
	_ =	swait.ge [sflag:s5], $0x4000;
	s14 =	sshll.u32 s11, $0xE  }
0x1d: {  	s16 =	simm.s32 $0x0;
	s17 =	simm.s32 $0x0;
	s15 =	sand.u32 $0x10000, s13  }
0x1e: {  	[sflag:s5] =	ssyncset.done $0x0;
	s31 =	sand.u32 $0x4000, s14;
	s14 =	sshrl.u32 s15, $0x2  }
0x1f: {  	[sflag:s5] =	ssyncadd.s32 $0xFFFFC000;
	s13 =	sor.u32 $0x8000, s31;
	s15 =	sor.u32 $0x8000, s14  }
.LBB1_3:
0x20: {  	s18 =	sshra.s32 s16, $0x2  }
0x21: {  	v0 =	vmov s18;
	_ =	sdelay $0x3  }
0x22: {  	p1 =	por $0x1, $0x1;
	s18 =	simm.s32 $0x0  }
.LBB1_4:
0x23: {  	_ = 	snop  }
0x24: {  	s19 =	sshll.u32 s18, $0xA  }
0x25: {  	s19 =	sand.u32 $0x3FFFFC00, s19  }
0x26: {  	s19 =	sadd.s32 s19, s14  }
0x27: {  	v5 =	vld.idx.msk [tilespmem:v0+s19+$0x70 ss:$0x1], $0xffff  }
0x28: {  	v6 =	vld.idx.msk [tilespmem:v0+s19+$0x10 ss:$0x1], $0xffff  }
0x29: {  	v7 =	vld.idx.msk [tilespmem:v0+s19+$0x20 ss:$0x1], $0xffff  }
0x2a: {  	s31 =	sshll.u32 s18, $0x7;
	v1 =	vld.idx.msk [tilespmem:v0+s19+$0x30 ss:$0x1], $0xffff  }
0x2b: {  	s18 =	sand.u32 $0x3FFFFF80, s31;
	v2 =	vld.idx.msk [tilespmem:v0+s19+$0x40 ss:$0x1], $0xffff  }
0x2c: {  	s18 =	sadd.s32 s18, s15;
	v3 =	vld.idx.msk [tilespmem:v0+s19+$0x50 ss:$0x1], $0xffff  }
0x2d: {  	v4 =	vld.idx.msk [tilespmem:v0+s19+$0x60 ss:$0x1], $0xffff;
	[tilespmem:v0+s18+$0x70 ss:$0x1] =	vst.idx.msk $0xffff, v5  }
0x2e: {  	v5 =	vld.idx.msk [tilespmem:v0+s19+$0x0 ss:$0x1], $0xffff;
	[tilespmem:v0+s18+$0x10 ss:$0x1] =	vst.idx.msk $0xffff, v6;
	s19 =	sadd.s32 $0x80, s19  }
0x2f: {  	p0 =	por p1, p1;
	s20 =	simm.s32 $0x6;
	[tilespmem:v0+s18+$0x20 ss:$0x1] =	vst.idx.msk $0xffff, v7;
	v6 =	vld.idx.msk [tilespmem:v0+s19+$0x70 ss:$0x1], $0xffff  }
.LBB1_5:
0x30: {  	p1 =	sne.s32 s20, $0x1;
	v7 =	vld.idx.msk [tilespmem:v0+s19+$0x10 ss:$0x1], $0xffff;
	[tilespmem:v0+s18+$0x30 ss:$0x1] =	vst.idx.msk $0xffff, v1  }
0x31: {  	v8 =	vld.idx.msk [tilespmem:v0+s19+$0x20 ss:$0x1], $0xffff;
	[tilespmem:v0+s18+$0x40 ss:$0x1] =	vst.idx.msk $0xffff, v2  }
0x32: {  	v1 =	vld.idx.msk [tilespmem:v0+s19+$0x30 ss:$0x1], $0xffff;
	[tilespmem:v0+s18+$0x50 ss:$0x1] =	vst.idx.msk $0xffff, v3  }
.Ltmp3:
0x33: {  	v2 =	vld.idx.msk [tilespmem:v0+s19+$0x40 ss:$0x1], $0xffff;
	[tilespmem:v0+s18+$0x60 ss:$0x1] =	vst.idx.msk $0xffff, v4;
	(pc) =	sbr.rel @p1 .LBB1_5-.Ltmp3, $4  }
0x34: {  	v3 =	vld.idx.msk [tilespmem:v0+s19+$0x50 ss:$0x1], $0xffff;
	[tilespmem:v0+s18+$0x0 ss:$0x1] =	vst.idx.msk $0xffff, v5;
	s18 =	sadd.s32 $0x100, s18  }
0x35: {  	v4 =	vld.idx.msk [tilespmem:v0+s19+$0x60 ss:$0x1], $0xffff;
	[tilespmem:v0+s18+$0x70 ss:$0x1] =	vst.idx.msk $0xffff, v6  }
0x36: {  	v5 =	vld.idx.msk [tilespmem:v0+s19+$0x0 ss:$0x1], $0xffff;
	[tilespmem:v0+s18+$0x10 ss:$0x1] =	vst.idx.msk $0xffff, v7;
	s19 =	sadd.s32 $0x80, s19  }
0x37: {  	s20 =	sadd.s32 $0xFFFFFFFF, s20;
	v6 =	vld.idx.msk [tilespmem:v0+s19+$0x70 ss:$0x1], $0xffff;
	[tilespmem:v0+s18+$0x20 ss:$0x1] =	vst.idx.msk $0xffff, v8  }
0x38: {  	_ =	sdelay $0x3  }
0x39: {  	[tilespmem:v0+s18+$0x30 ss:$0x1] =	vst.idx.msk $0xffff, v1  }
0x3a: {  	v1 =	vld.idx.msk [tilespmem:v0+s19+$0x10 ss:$0x1], $0xffff;
	[tilespmem:v0+s18+$0x40 ss:$0x1] =	vst.idx.msk $0xffff, v2  }
0x3b: {  	v2 =	vld.idx.msk [tilespmem:v0+s19+$0x20 ss:$0x1], $0xffff;
	[tilespmem:v0+s18+$0x50 ss:$0x1] =	vst.idx.msk $0xffff, v3  }
0x3c: {  	v61 =	vld.idx.msk [tilespmem:v0+s19+$0x40 ss:$0x1], $0xffff;
	[tilespmem:v0+s18+$0x60 ss:$0x1] =	vst.idx.msk $0xffff, v4  }
0x3d: {  	s31 =	sadd.s32 $0x100, s18;
	v62 =	vld.idx.msk [tilespmem:v0+s19+$0x50 ss:$0x1], $0xffff;
	[tilespmem:v0+s18+$0x0 ss:$0x1] =	vst.idx.msk $0xffff, v5  }
0x3e: {  	v63 =	vld.idx.msk [tilespmem:v0+s19+$0x60 ss:$0x1], $0xffff;
	[tilespmem:v0+s31+$0x70 ss:$0x1] =	vst.idx.msk $0xffff, v6  }
0x3f: {  	v3 =	vld.idx.msk [tilespmem:v0+s19+$0x30 ss:$0x1], $0xffff;
	[tilespmem:v0+s31+$0x10 ss:$0x1] =	vst.idx.msk $0xffff, v1  }
0x40: {  	v1 =	vld.idx.msk [tilespmem:v0+s19+$0x0 ss:$0x1], $0xffff;
	[tilespmem:v0+s31+$0x20 ss:$0x1] =	vst.idx.msk $0xffff, v2  }
.Ltmp4:
0x41: {  	[tilespmem:v0+s31+$0x40 ss:$0x1] =	vst.idx.msk $0xffff, v61;
	(pc) =	sbr.rel @p0 .LBB1_4-.Ltmp4, $4  }
0x42: {  	[tilespmem:v0+s31+$0x50 ss:$0x1] =	vst.idx.msk $0xffff, v62  }
0x43: {  	[tilespmem:v0+s31+$0x60 ss:$0x1] =	vst.idx.msk $0xffff, v63  }
0x44: {  	[tilespmem:v0+s31+$0x30 ss:$0x1] =	vst.idx.msk $0xffff, v3  }
0x45: {  	p1 =	por $0x0, $0x0;
	s18 =	simm.s32 $0x1;
	[tilespmem:v0+s31+$0x0 ss:$0x1] =	vst.idx.msk $0xffff, v1  }
0x46: {  	s17 =	sadd.s32 $0x1, s17  }
0x47: {  	p0 =	sne.s32 s17, $0x8  }
.Ltmp5:
0x48: {  	_ = 	snop;
	(pc) =	sbr.rel @p0 .LBB1_3-.Ltmp5, $2  }
0x49: {  	_ =	sdelay $0x2  }
0x4a: {  	s16 =	sadd.s32 $0x2000, s16  }
.Ltmp6:
0x4b: {  	(pc) =	sbr.rel .LBB1_9-.Ltmp6, $4  }
0x4c: {  	_ = 	snop  }
0x4d: {  	s12 =	sshll.u32 s12, $0x8  }
0x4e: {  	s12 =	sadd.s32 s4, s12  }
0x4f: {  	[hbm4b:s12+s8] =	stream.linear.scatter [tilespmem:s13], [sflag:$0x2], $0x4000, $0x38;
	[tilespmem:$0x10000] =	vst v63  }
.LBB1_10:
0x50: {  	_ =	sfence.sel $0x180000  }
0x51: {  	s2 =	simm.s32 $0x1;
	[bflag:$0x0] =	sbarrier.arrive $0xFFFF  }
0x52: {  	s31 =	simm.s32 $0x2;
	[sflag:s2] =	ssyncpa.u1 $0x1  }
0x53: {  	[sflag:s31] =	ssyncpa.u1 $0x1  }
0x54: {  	p0 =	sne.s32 s0, $0x0;
	_ =	strace $0x90000047  }
0x55: {  	s0 =	sadd.s32 @!p0 $0x100000, s1;
	[bflag:$0x2] =	sbarrier.arrive $0xFFFF  }
0x56: {  	[sflag:s0] =	ssyncadd.tile.s32 @!p0 $0x1;
	_ =	shalt  }
.Lfunc_end1:
_tile_overlayer_lowered:
.L_overlay_start_2:
0x57: {  	(tag) =	ssettag $0x2  }
0x58: {  	s0 =	rddreg [dreg:$0x0];
	s2 =	stileid.u32  }
0x59: {  	s1 =	rddreg [dreg:$0x1];
	p0 =	sne.s32 s2, $0x0  }
0x5a: {  	s3 =	rddreg [dreg:$0x2];
	[bflag:$0x3] =	sbarrier.arrive $0xFFFF;
	s2 =	simm.s32 @!p0 $0x1C01  }
0x5b: {  	[timem:s3], [sflag:s2] =	dma.local @!p0 [hbm:s0], s1  }
0x5c: {  	s0 =	simm.s32 @!p0 $0x1  }
0x5d: {  	_ =	swait.ge @!p0 [sflag:s0], s1  }
0x5e: {  	s1 =	ssub.s32 @!p0 $0x0, s1;
	[sflag:s0] =	ssyncset.done @!p0 $0x0  }
0x5f: {  	[sflag:s0] =	ssyncadd.s32 @!p0 s1  }
0x60: {  	[bflag:$0x3] =	sbarrier.arrive $0xFFFF  }
0x61: {  	_ =	shalt  }

</sc_bundles>
